<compile_context>
chip_gen: v7x
topology: tpu7x:2x2x1
jax: 0.10.2.dev20260603
libtpu: 0.0.44.dev20260713+nightly
codegen_flags: <defaults>
</compile_context>

<pallas_src>
import functools

import jax
import jax.numpy as jnp
from jax import lax
from jax.experimental import pallas as pl
from jax.experimental.pallas import tpu as pltpu
from jax.experimental.pallas import tpu_sc as plsc

NUM_CLASSES = 1000
DIM_EMB = 11
DENSE_OUT = 5
_TPAD = 1024

_NC = 2
_NS = 16
_NW = _NC * _NS
_LANES = 16


def _proj_body(embt_ref, wt_ref, b_ref, out_ref):
    out_ref[...] = jnp.tanh(
        jnp.dot(wt_ref[...], embt_ref[...], preferred_element_type=jnp.float32)
        + b_ref[...]
    )


def _project_table(emb_table, W, b):
    embt = jnp.pad(emb_table.T, ((0, 0), (0, _TPAD - NUM_CLASSES)))
    table = pl.pallas_call(
        _proj_body,
        out_shape=jax.ShapeDtypeStruct((DENSE_OUT, _TPAD), jnp.float32),
    )(embt, W.T, b.reshape(DENSE_OUT, 1))
    return table.reshape(-1)


@functools.cache
def _make_gather(total: int, blk: int):
    per_w = total // _NW
    nblk = per_w // blk
    assert nblk % 2 == 0
    grp_per_blk = blk // _LANES

    mesh = plsc.VectorSubcoreMesh(core_axis_name="c", subcore_axis_name="s")

    @functools.partial(
        pl.kernel,
        mesh=mesh,
        compiler_params=pltpu.CompilerParams(needs_layout_passes=False),
        out_type=jax.ShapeDtypeStruct((DENSE_OUT * total,), jnp.float32),
        scratch_types=[
            pltpu.VMEM((DENSE_OUT * _TPAD,), jnp.float32),
            pltpu.VMEM((blk,), jnp.int32),
            pltpu.VMEM((blk,), jnp.int32),
            pltpu.VMEM((DENSE_OUT * blk,), jnp.float32),
            pltpu.VMEM((DENSE_OUT * blk,), jnp.float32),
            pltpu.SemaphoreType.DMA,
            pltpu.SemaphoreType.DMA,
            pltpu.SemaphoreType.DMA,
            pltpu.SemaphoreType.DMA,
        ],
    )
    def gather_kernel(
        table_hbm, idx_hbm, out_hbm,
        table_v, i0, i1, o0, o1, si0, si1, so0, so1,
    ):
        wid = lax.axis_index("s") * _NC + lax.axis_index("c")
        wbase = wid * per_w
        ibufs, obufs = (i0, i1), (o0, o1)
        isems, osems = (si0, si1), (so0, so1)
        pltpu.sync_copy(table_hbm, table_v)

        def idx_src(b):
            return idx_hbm.at[pl.ds(wbase + b * blk, blk)]

        def out_dst(b, c):
            return out_hbm.at[pl.ds(c * total + wbase + b * blk, blk)]

        pltpu.async_copy(idx_src(0), ibufs[0], isems[0])

        def pair_body(pi, _):
            for p in range(2):
                b = pi * 2 + p
                ib, ob = ibufs[p], obufs[p]

                @pl.when(b + 1 < nblk)
                def _():
                    pltpu.async_copy(idx_src(b + 1), ibufs[1 - p], isems[1 - p])

                pltpu.make_async_copy(idx_src(b), ib, isems[p]).wait()

                @pl.when(b >= 2)
                def _():
                    for c in range(DENSE_OUT):
                        pltpu.make_async_copy(
                            ob.at[pl.ds(c * blk, blk)], out_dst(b, c), osems[p]
                        ).wait()

                def grp(g, _):
                    iv = ib[pl.ds(g * _LANES, _LANES)]
                    for c in range(DENSE_OUT):
                        v = plsc.load_gather(table_v, [iv + c * _TPAD])
                        ob[pl.ds(c * blk + g * _LANES, _LANES)] = v
                    return 0

                lax.fori_loop(0, grp_per_blk, grp, 0, unroll=4)
                for c in range(DENSE_OUT):
                    pltpu.async_copy(
                        ob.at[pl.ds(c * blk, blk)], out_dst(b, c), osems[p]
                    )
            return 0

        lax.fori_loop(0, nblk // 2, pair_body, 0)
        for p in range(2):
            for c in range(DENSE_OUT):
                pltpu.make_async_copy(
                    obufs[p].at[pl.ds(c * blk, blk)],
                    out_dst(nblk - 2 + p, c),
                    osems[p],
                ).wait()

    return gather_kernel


def kernel(inputs, emb_table, W, b):
    batch, seqlen = inputs.shape
    total = batch * seqlen
    assert batch % 128 == 0 and seqlen % 8 == 0

    blk = 2048
    while total % (_NW * blk) != 0 or (total // (_NW * blk)) % 2 != 0:
        blk //= 2

    table = _project_table(emb_table, W, b)

    tb, tl = batch // 128, seqlen // 8
    idx_phys = (
        inputs.astype(jnp.int32)
        .reshape(tb, 128, tl, 8)
        .transpose(2, 0, 3, 1)
        .reshape(-1)
    )

    out_flat = _make_gather(total, blk)(table, idx_phys)

    out = (
        out_flat.reshape(DENSE_OUT, tl, tb, 8, 128)
        .transpose(2, 4, 1, 3, 0)
        .reshape(batch, seqlen, DENSE_OUT)
    )
    return out

# --- scband reference (transcript-rebuilt; emitter-appended) ---
"""Pipeline reference for scband-char-embedding-v5-4063039062448 (READ-ONLY COPY).

The authoritative reference and input builder live on the scoring server;
editing this copy changes nothing except your own understanding.
"""

import jax, jax.numpy as jnp
import numpy as np

NUM_CLASSES = 1000
MAX_LENGTH = 200
BATCH = 16384
DIM_EMB = 11
DENSE_OUT = 5


def setup_inputs(seed: int = 0) -> dict:
    key = jax.random.key(seed)
    k_idx, k_emb, k_w, k_b = jax.random.split(key, 4)
    inputs = jax.random.randint(k_idx, (BATCH, MAX_LENGTH), 0, NUM_CLASSES, dtype=jnp.int64 if jax.config.jax_enable_x64 else jnp.int32)
    # Keras Embedding default init: uniform(-0.05, 0.05)
    emb_table = jax.random.uniform(k_emb, (NUM_CLASSES, DIM_EMB), minval=-0.05, maxval=0.05, dtype=jnp.float32)
    # Keras Dense default: glorot_uniform for kernel, zeros for bias
    limit = np.sqrt(6.0 / (DIM_EMB + DENSE_OUT))
    W = jax.random.uniform(k_w, (DIM_EMB, DENSE_OUT), minval=-limit, maxval=limit, dtype=jnp.float32)
    b = jnp.zeros((DENSE_OUT,), dtype=jnp.float32)
    return {"inputs": inputs, "emb_table": emb_table, "W": W, "b": b}


def reference(inputs, emb_table, W, b):
    # Embedding lookup (gather)
    embedded = jnp.take(emb_table, inputs, axis=0)  # [B, L, 11]
    # Dense with tanh activation
    dense_compressed_1 = jnp.tanh(jnp.einsum('bld,do->blo', embedded, W) + b)  # [B, L, 5]
    return dense_compressed_1

if __name__ == "__main__":
    import jax
    _d = setup_inputs()
    print(jax.jit(kernel)(*tuple(_d.values())))

</pallas_src>

<mosaic_0001>
#map = affine_map<(d0, d1) -> (0)>
module attributes {stable_mosaic.version = 14 : i64} {
  func.func @gather_kernel(%arg0: i32, %arg1: i32, %arg2: memref<5120xf32, #tpu.memory_space<hbm>>, %arg3: memref<3276800xi32, #tpu.memory_space<hbm>>, %arg4: memref<16384000xf32, #tpu.memory_space<hbm>>, %arg5: memref<5120xf32, #tpu.memory_space<vmem>>, %arg6: memref<2048xi32, #tpu.memory_space<vmem>>, %arg7: memref<2048xi32, #tpu.memory_space<vmem>>, %arg8: memref<10240xf32, #tpu.memory_space<vmem>>, %arg9: memref<10240xf32, #tpu.memory_space<vmem>>, %arg10: memref<!tpu.dma_semaphore, #tpu.memory_space<semaphore_mem>>, %arg11: memref<!tpu.dma_semaphore, #tpu.memory_space<semaphore_mem>>, %arg12: memref<!tpu.dma_semaphore, #tpu.memory_space<semaphore_mem>>, %arg13: memref<!tpu.dma_semaphore, #tpu.memory_space<semaphore_mem>>) attributes {dimension_semantics = [#tpu.dimension_semantics<core_parallel>, #tpu.dimension_semantics<subcore_parallel>], iteration_bounds = array<i64: 2, 16>, scalar_prefetch = 0 : i64, scratch_operands = 9 : i64, tpu.core_type = #tpu.core_type<sc_vector_subcore>, window_params = [{transform_indices = #map}, {transform_indices = #map}, {transform_indices = #map}]} {
    %mul3A = arith.constant 2 : i32
    %mul3A_0 = arith.muli %arg1, %mul3A : i32
    %add3A = arith.addi %mul3A_0, %arg0 : i32
    %mul3A_1 = arith.constant 102400 : i32
    %mul3A_2 = arith.muli %add3A, %mul3A_1 : i32
    "tpu.region"() ({
      %run_scoped3A = tpu.sem_alloc : memref<!tpu.dma_semaphore, #tpu.memory_space<semaphore_mem>>
      tpu.enqueue_dma source(%arg2 : memref<5120xf32, #tpu.memory_space<hbm>>) target(%arg5 : memref<5120xf32, #tpu.memory_space<vmem>>) target_semaphore(%run_scoped3A : memref<!tpu.dma_semaphore, #tpu.memory_space<semaphore_mem>>)
      tpu.wait_dma2 semaphore(%run_scoped3A : memref<!tpu.dma_semaphore, #tpu.memory_space<semaphore_mem>>) src(%arg2 : memref<5120xf32, #tpu.memory_space<hbm>>) dst(%arg5 : memref<5120xf32, #tpu.memory_space<vmem>>)
      tpu.yield
    }) : () -> ()
    %add3A_3 = arith.constant 0 : i32
    %add3A_4 = arith.addi %mul3A_2, %add3A_3 : i32
    %dma_start3A = tpu.memref_slice %arg3[%add3A_4] : memref<3276800xi32, #tpu.memory_space<hbm>> -> memref<2048xi32, #tpu.memory_space<hbm>>
    %dma_start3A_5 = tpu.memref_slice %arg3[%add3A_4] : memref<3276800xi32, #tpu.memory_space<hbm>> -> memref<2048xi32, #tpu.memory_space<hbm>>
    tpu.enqueue_dma source(%dma_start3A_5 : memref<2048xi32, #tpu.memory_space<hbm>>) target(%arg6 : memref<2048xi32, #tpu.memory_space<vmem>>) target_semaphore(%arg10 : memref<!tpu.dma_semaphore, #tpu.memory_space<semaphore_mem>>)
    %scan3A = arith.constant 0 : i32
    %scan3A_6 = arith.constant 0 : i32
    %scan3A_7 = arith.constant 25 : i32
    %scan3A_8 = arith.addi %scan3A_6, %scan3A_7 : i32
    %scan3A_9 = arith.constant 1 : i32
    %scan3A_10 = scf.for %scan3A_111 = %scan3A_6 to %scan3A_8 step %scan3A_9 iter_args(%scan3A_112 = %scan3A) -> (i32)  : i32 {
      %mul3A_113 = arith.constant 2 : i32
      %mul3A_114 = arith.muli %scan3A_111, %mul3A_113 : i32
      %add3A_115 = arith.constant 0 : i32
      %add3A_116 = arith.addi %mul3A_114, %add3A_115 : i32
      %add3A_117 = arith.constant 1 : i32
      %add3A_118 = arith.addi %add3A_116, %add3A_117 : i32
      %lt3A = arith.constant 50 : i32
      %lt3A_119 = arith.cmpi slt, %add3A_118, %lt3A : i32
      %convert_element_type3A = arith.extui %lt3A_119 : i1 to i32
      %cond3A = arith.constant 0 : i32
      %cond3A_120 = arith.cmpi ne, %convert_element_type3A, %cond3A : i32
      scf.if %cond3A_120 {
        %add3A_276 = arith.constant 1 : i32
        %add3A_277 = arith.addi %add3A_116, %add3A_276 : i32
        %mul3A_278 = arith.constant 2048 : i32
        %mul3A_279 = arith.muli %add3A_277, %mul3A_278 : i32
        %add3A_280 = arith.addi %mul3A_2, %mul3A_279 : i32
        %dma_start3A_281 = tpu.memref_slice %arg3[%add3A_280] : memref<3276800xi32, #tpu.memory_space<hbm>> -> memref<2048xi32, #tpu.memory_space<hbm>>
        %dma_start3A_282 = tpu.memref_slice %arg3[%add3A_280] : memref<3276800xi32, #tpu.memory_space<hbm>> -> memref<2048xi32, #tpu.memory_space<hbm>>
        tpu.enqueue_dma source(%dma_start3A_282 : memref<2048xi32, #tpu.memory_space<hbm>>) target(%arg7 : memref<2048xi32, #tpu.memory_space<vmem>>) target_semaphore(%arg11 : memref<!tpu.dma_semaphore, #tpu.memory_space<semaphore_mem>>)
      } else {
      }
      %mul3A_121 = arith.constant 2048 : i32
      %mul3A_122 = arith.muli %add3A_116, %mul3A_121 : i32
      %add3A_123 = arith.addi %mul3A_2, %mul3A_122 : i32
      %dma_wait3A_124 = tpu.memref_slice %arg3[%add3A_123] : memref<3276800xi32, #tpu.memory_space<hbm>> -> memref<2048xi32, #tpu.memory_space<hbm>>
      %dma_wait3A_125 = tpu.memref_slice %arg3[%add3A_123] : memref<3276800xi32, #tpu.memory_space<hbm>> -> memref<2048xi32, #tpu.memory_space<hbm>>
      tpu.wait_dma2 semaphore(%arg10 : memref<!tpu.dma_semaphore, #tpu.memory_space<semaphore_mem>>) src(%dma_wait3A_125 : memref<2048xi32, #tpu.memory_space<hbm>>) dst(%arg6 : memref<2048xi32, #tpu.memory_space<vmem>>)
      %ge3A = arith.constant 2 : i32
      %ge3A_126 = arith.cmpi sge, %add3A_116, %ge3A : i32
      %convert_element_type3A_127 = arith.extui %ge3A_126 : i1 to i32
      %cond3A_128 = arith.constant 0 : i32
      %cond3A_129 = arith.cmpi ne, %convert_element_type3A_127, %cond3A_128 : i32
      scf.if %cond3A_129 {
        %add3A_276 = arith.constant 0 : i32
        %add3A_277 = arith.addi %add3A_276, %mul3A_2 : i32
        %mul3A_278 = arith.constant 2048 : i32
        %mul3A_279 = arith.muli %add3A_116, %mul3A_278 : i32
        %add3A_280 = arith.addi %add3A_277, %mul3A_279 : i32
        %dma_wait3A_281 = arith.constant 0 : i32
        %dma_wait3A_282 = tpu.memref_slice %arg8[%dma_wait3A_281] : memref<10240xf32, #tpu.memory_space<vmem>> -> memref<2048xf32, #tpu.memory_space<vmem>>
        %dma_wait3A_283 = tpu.memref_slice %arg4[%add3A_280] : memref<16384000xf32, #tpu.memory_space<hbm>> -> memref<2048xf32, #tpu.memory_space<hbm>>
        %dma_wait3A_284 = tpu.memref_slice %arg4[%add3A_280] : memref<16384000xf32, #tpu.memory_space<hbm>> -> memref<2048xf32, #tpu.memory_space<hbm>>
        %dma_wait3A_285 = arith.constant 0 : i32
        %dma_wait3A_286 = tpu.memref_slice %arg8[%dma_wait3A_285] : memref<10240xf32, #tpu.memory_space<vmem>> -> memref<2048xf32, #tpu.memory_space<vmem>>
        tpu.wait_dma2 semaphore(%arg12 : memref<!tpu.dma_semaphore, #tpu.memory_space<semaphore_mem>>) src(%dma_wait3A_286 : memref<2048xf32, #tpu.memory_space<vmem>>) dst(%dma_wait3A_284 : memref<2048xf32, #tpu.memory_space<hbm>>)
        %add3A_287 = arith.constant 3276800 : i32
        %add3A_288 = arith.addi %add3A_287, %mul3A_2 : i32
        %mul3A_289 = arith.constant 2048 : i32
        %mul3A_290 = arith.muli %add3A_116, %mul3A_289 : i32
        %add3A_291 = arith.addi %add3A_288, %mul3A_290 : i32
        %dma_wait3A_292 = arith.constant 2048 : i32
        %dma_wait3A_293 = tpu.memref_slice %arg8[%dma_wait3A_292] : memref<10240xf32, #tpu.memory_space<vmem>> -> memref<2048xf32, #tpu.memory_space<vmem>>
        %dma_wait3A_294 = tpu.memref_slice %arg4[%add3A_291] : memref<16384000xf32, #tpu.memory_space<hbm>> -> memref<2048xf32, #tpu.memory_space<hbm>>
        %dma_wait3A_295 = tpu.memref_slice %arg4[%add3A_291] : memref<16384000xf32, #tpu.memory_space<hbm>> -> memref<2048xf32, #tpu.memory_space<hbm>>
        %dma_wait3A_296 = arith.constant 2048 : i32
        %dma_wait3A_297 = tpu.memref_slice %arg8[%dma_wait3A_296] : memref<10240xf32, #tpu.memory_space<vmem>> -> memref<2048xf32, #tpu.memory_space<vmem>>
        tpu.wait_dma2 semaphore(%arg12 : memref<!tpu.dma_semaphore, #tpu.memory_space<semaphore_mem>>) src(%dma_wait3A_297 : memref<2048xf32, #tpu.memory_space<vmem>>) dst(%dma_wait3A_295 : memref<2048xf32, #tpu.memory_space<hbm>>)
        %add3A_298 = arith.constant 6553600 : i32
        %add3A_299 = arith.addi %add3A_298, %mul3A_2 : i32
        %mul3A_300 = arith.constant 2048 : i32
        %mul3A_301 = arith.muli %add3A_116, %mul3A_300 : i32
        %add3A_302 = arith.addi %add3A_299, %mul3A_301 : i32
        %dma_wait3A_303 = arith.constant 4096 : i32
        %dma_wait3A_304 = tpu.memref_slice %arg8[%dma_wait3A_303] : memref<10240xf32, #tpu.memory_space<vmem>> -> memref<2048xf32, #tpu.memory_space<vmem>>
        %dma_wait3A_305 = tpu.memref_slice %arg4[%add3A_302] : memref<16384000xf32, #tpu.memory_space<hbm>> -> memref<2048xf32, #tpu.memory_space<hbm>>
        %dma_wait3A_306 = tpu.memref_slice %arg4[%add3A_302] : memref<16384000xf32, #tpu.memory_space<hbm>> -> memref<2048xf32, #tpu.memory_space<hbm>>
        %dma_wait3A_307 = arith.constant 4096 : i32
        %dma_wait3A_308 = tpu.memref_slice %arg8[%dma_wait3A_307] : memref<10240xf32, #tpu.memory_space<vmem>> -> memref<2048xf32, #tpu.memory_space<vmem>>
        tpu.wait_dma2 semaphore(%arg12 : memref<!tpu.dma_semaphore, #tpu.memory_space<semaphore_mem>>) src(%dma_wait3A_308 : memref<2048xf32, #tpu.memory_space<vmem>>) dst(%dma_wait3A_306 : memref<2048xf32, #tpu.memory_space<hbm>>)
        %add3A_309 = arith.constant 9830400 : i32
        %add3A_310 = arith.addi %add3A_309, %mul3A_2 : i32
        %mul3A_311 = arith.constant 2048 : i32
        %mul3A_312 = arith.muli %add3A_116, %mul3A_311 : i32
        %add3A_313 = arith.addi %add3A_310, %mul3A_312 : i32
        %dma_wait3A_314 = arith.constant 6144 : i32
        %dma_wait3A_315 = tpu.memref_slice %arg8[%dma_wait3A_314] : memref<10240xf32, #tpu.memory_space<vmem>> -> memref<2048xf32, #tpu.memory_space<vmem>>
        %dma_wait3A_316 = tpu.memref_slice %arg4[%add3A_313] : memref<16384000xf32, #tpu.memory_space<hbm>> -> memref<2048xf32, #tpu.memory_space<hbm>>
        %dma_wait3A_317 = tpu.memref_slice %arg4[%add3A_313] : memref<16384000xf32, #tpu.memory_space<hbm>> -> memref<2048xf32, #tpu.memory_space<hbm>>
        %dma_wait3A_318 = arith.constant 6144 : i32
        %dma_wait3A_319 = tpu.memref_slice %arg8[%dma_wait3A_318] : memref<10240xf32, #tpu.memory_space<vmem>> -> memref<2048xf32, #tpu.memory_space<vmem>>
        tpu.wait_dma2 semaphore(%arg12 : memref<!tpu.dma_semaphore, #tpu.memory_space<semaphore_mem>>) src(%dma_wait3A_319 : memref<2048xf32, #tpu.memory_space<vmem>>) dst(%dma_wait3A_317 : memref<2048xf32, #tpu.memory_space<hbm>>)
        %add3A_320 = arith.constant 13107200 : i32
        %add3A_321 = arith.addi %add3A_320, %mul3A_2 : i32
        %mul3A_322 = arith.constant 2048 : i32
        %mul3A_323 = arith.muli %add3A_116, %mul3A_322 : i32
        %add3A_324 = arith.addi %add3A_321, %mul3A_323 : i32
        %dma_wait3A_325 = arith.constant 8192 : i32
        %dma_wait3A_326 = tpu.memref_slice %arg8[%dma_wait3A_325] : memref<10240xf32, #tpu.memory_space<vmem>> -> memref<2048xf32, #tpu.memory_space<vmem>>
        %dma_wait3A_327 = tpu.memref_slice %arg4[%add3A_324] : memref<16384000xf32, #tpu.memory_space<hbm>> -> memref<2048xf32, #tpu.memory_space<hbm>>
        %dma_wait3A_328 = tpu.memref_slice %arg4[%add3A_324] : memref<16384000xf32, #tpu.memory_space<hbm>> -> memref<2048xf32, #tpu.memory_space<hbm>>
        %dma_wait3A_329 = arith.constant 8192 : i32
        %dma_wait3A_330 = tpu.memref_slice %arg8[%dma_wait3A_329] : memref<10240xf32, #tpu.memory_space<vmem>> -> memref<2048xf32, #tpu.memory_space<vmem>>
        tpu.wait_dma2 semaphore(%arg12 : memref<!tpu.dma_semaphore, #tpu.memory_space<semaphore_mem>>) src(%dma_wait3A_330 : memref<2048xf32, #tpu.memory_space<vmem>>) dst(%dma_wait3A_328 : memref<2048xf32, #tpu.memory_space<hbm>>)
      } else {
      }
      %scan3A_130 = arith.constant 0 : i32
      %scan3A_131 = arith.constant 0 : i32
      %scan3A_132 = arith.constant 128 : i32
      %scan3A_133 = arith.addi %scan3A_131, %scan3A_132 : i32
      %scan3A_134 = arith.constant 4 : i32
      %scan3A_135 = scf.for %scan3A_276 = %scan3A_131 to %scan3A_133 step %scan3A_134 iter_args(%scan3A_277 = %scan3A_130) -> (i32)  : i32 {
        %mul3A_278 = arith.constant 16 : i32
        %mul3A_279 = arith.muli %scan3A_276, %mul3A_278 : i32
        %get3A = arith.index_cast %mul3A_279 : i32 to index
        %get3A_280 = tpu.vector_load %arg6[%get3A] {strides = array<i32>} : memref<2048xi32, #tpu.memory_space<vmem>>, vector<16xi32>,
        %add3A_281 = arith.constant 0 : i32
        %add3A_282 = vector.broadcast %add3A_281 : i32 to vector<16xi32>
        %add3A_283 = arith.addi %get3A_280, %add3A_282 : vector<16xi32>
        %gather3A = tpu.vector_load_idx %arg5[%add3A_283] : memref<5120xf32, #tpu.memory_space<vmem>>[vector<16xi32>], vector<16xf32>,
        %mul3A_284 = arith.constant 16 : i32
        %mul3A_285 = arith.muli %scan3A_276, %mul3A_284 : i32
        %add3A_286 = arith.constant 0 : i32
        %add3A_287 = arith.addi %add3A_286, %mul3A_285 : i32
        %swap3A = arith.index_cast %add3A_287 : i32 to index
        %swap3A_288 = tpu.vector_load %arg8[%swap3A] {strides = array<i32>} : memref<10240xf32, #tpu.memory_space<vmem>>, vector<16xf32>,
        tpu.vector_store %arg8[%swap3A], %gather3A {strides = array<i32>} : memref<10240xf32, #tpu.memory_space<vmem>>, vector<16xf32>,
        %add3A_289 = arith.constant 1024 : i32
        %add3A_290 = vector.broadcast %add3A_289 : i32 to vector<16xi32>
        %add3A_291 = arith.addi %get3A_280, %add3A_290 : vector<16xi32>
        %gather3A_292 = tpu.vector_load_idx %arg5[%add3A_291] : memref<5120xf32, #tpu.memory_space<vmem>>[vector<16xi32>], vector<16xf32>,
        %mul3A_293 = arith.constant 16 : i32
        %mul3A_294 = arith.muli %scan3A_276, %mul3A_293 : i32
        %add3A_295 = arith.constant 2048 : i32
        %add3A_296 = arith.addi %add3A_295, %mul3A_294 : i32
        %swap3A_297 = arith.index_cast %add3A_296 : i32 to index
        %swap3A_298 = tpu.vector_load %arg8[%swap3A_297] {strides = array<i32>} : memref<10240xf32, #tpu.memory_space<vmem>>, vector<16xf32>,
        tpu.vector_store %arg8[%swap3A_297], %gather3A_292 {strides = array<i32>} : memref<10240xf32, #tpu.memory_space<vmem>>, vector<16xf32>,
        %add3A_299 = arith.constant 2048 : i32
        %add3A_300 = vector.broadcast %add3A_299 : i32 to vector<16xi32>
        %add3A_301 = arith.addi %get3A_280, %add3A_300 : vector<16xi32>
        %gather3A_302 = tpu.vector_load_idx %arg5[%add3A_301] : memref<5120xf32, #tpu.memory_space<vmem>>[vector<16xi32>], vector<16xf32>,
        %mul3A_303 = arith.constant 16 : i32
        %mul3A_304 = arith.muli %scan3A_276, %mul3A_303 : i32
        %add3A_305 = arith.constant 4096 : i32
        %add3A_306 = arith.addi %add3A_305, %mul3A_304 : i32
        %swap3A_307 = arith.index_cast %add3A_306 : i32 to index
        %swap3A_308 = tpu.vector_load %arg8[%swap3A_307] {strides = array<i32>} : memref<10240xf32, #tpu.memory_space<vmem>>, vector<16xf32>,
        tpu.vector_store %arg8[%swap3A_307], %gather3A_302 {strides = array<i32>} : memref<10240xf32, #tpu.memory_space<vmem>>, vector<16xf32>,
        %add3A_309 = arith.constant 3072 : i32
        %add3A_310 = vector.broadcast %add3A_309 : i32 to vector<16xi32>
        %add3A_311 = arith.addi %get3A_280, %add3A_310 : vector<16xi32>
        %gather3A_312 = tpu.vector_load_idx %arg5[%add3A_311] : memref<5120xf32, #tpu.memory_space<vmem>>[vector<16xi32>], vector<16xf32>,
        %mul3A_313 = arith.constant 16 : i32
        %mul3A_314 = arith.muli %scan3A_276, %mul3A_313 : i32
        %add3A_315 = arith.constant 6144 : i32
        %add3A_316 = arith.addi %add3A_315, %mul3A_314 : i32
        %swap3A_317 = arith.index_cast %add3A_316 : i32 to index
        %swap3A_318 = tpu.vector_load %arg8[%swap3A_317] {strides = array<i32>} : memref<10240xf32, #tpu.memory_space<vmem>>, vector<16xf32>,
        tpu.vector_store %arg8[%swap3A_317], %gather3A_312 {strides = array<i32>} : memref<10240xf32, #tpu.memory_space<vmem>>, vector<16xf32>,
        %add3A_319 = arith.constant 4096 : i32
        %add3A_320 = vector.broadcast %add3A_319 : i32 to vector<16xi32>
        %add3A_321 = arith.addi %get3A_280, %add3A_320 : vector<16xi32>
        %gather3A_322 = tpu.vector_load_idx %arg5[%add3A_321] : memref<5120xf32, #tpu.memory_space<vmem>>[vector<16xi32>], vector<16xf32>,
        %mul3A_323 = arith.constant 16 : i32
        %mul3A_324 = arith.muli %scan3A_276, %mul3A_323 : i32
        %add3A_325 = arith.constant 8192 : i32
        %add3A_326 = arith.addi %add3A_325, %mul3A_324 : i32
        %swap3A_327 = arith.index_cast %add3A_326 : i32 to index
        %swap3A_328 = tpu.vector_load %arg8[%swap3A_327] {strides = array<i32>} : memref<10240xf32, #tpu.memory_space<vmem>>, vector<16xf32>,
        tpu.vector_store %arg8[%swap3A_327], %gather3A_322 {strides = array<i32>} : memref<10240xf32, #tpu.memory_space<vmem>>, vector<16xf32>,
        %scan3A_329 = arith.constant 0 : i32
        %scan3A_330 = arith.constant 1 : i32
        %scan3A_331 = arith.addi %scan3A_276, %scan3A_330 : i32
        %mul3A_332 = arith.constant 16 : i32
        %mul3A_333 = arith.muli %scan3A_331, %mul3A_332 : i32
        %get3A_334 = arith.index_cast %mul3A_333 : i32 to index
        %get3A_335 = tpu.vector_load %arg6[%get3A_334] {strides = array<i32>} : memref<2048xi32, #tpu.memory_space<vmem>>, vector<16xi32>,
        %add3A_336 = arith.constant 0 : i32
        %add3A_337 = vector.broadcast %add3A_336 : i32 to vector<16xi32>
        %add3A_338 = arith.addi %get3A_335, %add3A_337 : vector<16xi32>
        %gather3A_339 = tpu.vector_load_idx %arg5[%add3A_338] : memref<5120xf32, #tpu.memory_space<vmem>>[vector<16xi32>], vector<16xf32>,
        %mul3A_340 = arith.constant 16 : i32
        %mul3A_341 = arith.muli %scan3A_331, %mul3A_340 : i32
        %add3A_342 = arith.constant 0 : i32
        %add3A_343 = arith.addi %add3A_342, %mul3A_341 : i32
        %swap3A_344 = arith.index_cast %add3A_343 : i32 to index
        %swap3A_345 = tpu.vector_load %arg8[%swap3A_344] {strides = array<i32>} : memref<10240xf32, #tpu.memory_space<vmem>>, vector<16xf32>,
        tpu.vector_store %arg8[%swap3A_344], %gather3A_339 {strides = array<i32>} : memref<10240xf32, #tpu.memory_space<vmem>>, vector<16xf32>,
        %add3A_346 = arith.constant 1024 : i32
        %add3A_347 = vector.broadcast %add3A_346 : i32 to vector<16xi32>
        %add3A_348 = arith.addi %get3A_335, %add3A_347 : vector<16xi32>
        %gather3A_349 = tpu.vector_load_idx %arg5[%add3A_348] : memref<5120xf32, #tpu.memory_space<vmem>>[vector<16xi32>], vector<16xf32>,
        %mul3A_350 = arith.constant 16 : i32
        %mul3A_351 = arith.muli %scan3A_331, %mul3A_350 : i32
        %add3A_352 = arith.constant 2048 : i32
        %add3A_353 = arith.addi %add3A_352, %mul3A_351 : i32
        %swap3A_354 = arith.index_cast %add3A_353 : i32 to index
        %swap3A_355 = tpu.vector_load %arg8[%swap3A_354] {strides = array<i32>} : memref<10240xf32, #tpu.memory_space<vmem>>, vector<16xf32>,
        tpu.vector_store %arg8[%swap3A_354], %gather3A_349 {strides = array<i32>} : memref<10240xf32, #tpu.memory_space<vmem>>, vector<16xf32>,
        %add3A_356 = arith.constant 2048 : i32
        %add3A_357 = vector.broadcast %add3A_356 : i32 to vector<16xi32>
        %add3A_358 = arith.addi %get3A_335, %add3A_357 : vector<16xi32>
        %gather3A_359 = tpu.vector_load_idx %arg5[%add3A_358] : memref<5120xf32, #tpu.memory_space<vmem>>[vector<16xi32>], vector<16xf32>,
        %mul3A_360 = arith.constant 16 : i32
        %mul3A_361 = arith.muli %scan3A_331, %mul3A_360 : i32
        %add3A_362 = arith.constant 4096 : i32
        %add3A_363 = arith.addi %add3A_362, %mul3A_361 : i32
        %swap3A_364 = arith.index_cast %add3A_363 : i32 to index
        %swap3A_365 = tpu.vector_load %arg8[%swap3A_364] {strides = array<i32>} : memref<10240xf32, #tpu.memory_space<vmem>>, vector<16xf32>,
        tpu.vector_store %arg8[%swap3A_364], %gather3A_359 {strides = array<i32>} : memref<10240xf32, #tpu.memory_space<vmem>>, vector<16xf32>,
        %add3A_366 = arith.constant 3072 : i32
        %add3A_367 = vector.broadcast %add3A_366 : i32 to vector<16xi32>
        %add3A_368 = arith.addi %get3A_335, %add3A_367 : vector<16xi32>
        %gather3A_369 = tpu.vector_load_idx %arg5[%add3A_368] : memref<5120xf32, #tpu.memory_space<vmem>>[vector<16xi32>], vector<16xf32>,
        %mul3A_370 = arith.constant 16 : i32
        %mul3A_371 = arith.muli %scan3A_331, %mul3A_370 : i32
        %add3A_372 = arith.constant 6144 : i32
        %add3A_373 = arith.addi %add3A_372, %mul3A_371 : i32
        %swap3A_374 = arith.index_cast %add3A_373 : i32 to index
        %swap3A_375 = tpu.vector_load %arg8[%swap3A_374] {strides = array<i32>} : memref<10240xf32, #tpu.memory_space<vmem>>, vector<16xf32>,
        tpu.vector_store %arg8[%swap3A_374], %gather3A_369 {strides = array<i32>} : memref<10240xf32, #tpu.memory_space<vmem>>, vector<16xf32>,
        %add3A_376 = arith.constant 4096 : i32
        %add3A_377 = vector.broadcast %add3A_376 : i32 to vector<16xi32>
        %add3A_378 = arith.addi %get3A_335, %add3A_377 : vector<16xi32>
        %gather3A_379 = tpu.vector_load_idx %arg5[%add3A_378] : memref<5120xf32, #tpu.memory_space<vmem>>[vector<16xi32>], vector<16xf32>,
        %mul3A_380 = arith.constant 16 : i32
        %mul3A_381 = arith.muli %scan3A_331, %mul3A_380 : i32
        %add3A_382 = arith.constant 8192 : i32
        %add3A_383 = arith.addi %add3A_382, %mul3A_381 : i32
        %swap3A_384 = arith.index_cast %add3A_383 : i32 to index
        %swap3A_385 = tpu.vector_load %arg8[%swap3A_384] {strides = array<i32>} : memref<10240xf32, #tpu.memory_space<vmem>>, vector<16xf32>,
        tpu.vector_store %arg8[%swap3A_384], %gather3A_379 {strides = array<i32>} : memref<10240xf32, #tpu.memory_space<vmem>>, vector<16xf32>,
        %scan3A_386 = arith.constant 0 : i32
        %scan3A_387 = arith.constant 2 : i32
        %scan3A_388 = arith.addi %scan3A_276, %scan3A_387 : i32
        %mul3A_389 = arith.constant 16 : i32
        %mul3A_390 = arith.muli %scan3A_388, %mul3A_389 : i32
        %get3A_391 = arith.index_cast %mul3A_390 : i32 to index
        %get3A_392 = tpu.vector_load %arg6[%get3A_391] {strides = array<i32>} : memref<2048xi32, #tpu.memory_space<vmem>>, vector<16xi32>,
        %add3A_393 = arith.constant 0 : i32
        %add3A_394 = vector.broadcast %add3A_393 : i32 to vector<16xi32>
        %add3A_395 = arith.addi %get3A_392, %add3A_394 : vector<16xi32>
        %gather3A_396 = tpu.vector_load_idx %arg5[%add3A_395] : memref<5120xf32, #tpu.memory_space<vmem>>[vector<16xi32>], vector<16xf32>,
        %mul3A_397 = arith.constant 16 : i32
        %mul3A_398 = arith.muli %scan3A_388, %mul3A_397 : i32
        %add3A_399 = arith.constant 0 : i32
        %add3A_400 = arith.addi %add3A_399, %mul3A_398 : i32
        %swap3A_401 = arith.index_cast %add3A_400 : i32 to index
        %swap3A_402 = tpu.vector_load %arg8[%swap3A_401] {strides = array<i32>} : memref<10240xf32, #tpu.memory_space<vmem>>, vector<16xf32>,
        tpu.vector_store %arg8[%swap3A_401], %gather3A_396 {strides = array<i32>} : memref<10240xf32, #tpu.memory_space<vmem>>, vector<16xf32>,
        %add3A_403 = arith.constant 1024 : i32
        %add3A_404 = vector.broadcast %add3A_403 : i32 to vector<16xi32>
        %add3A_405 = arith.addi %get3A_392, %add3A_404 : vector<16xi32>
        %gather3A_406 = tpu.vector_load_idx %arg5[%add3A_405] : memref<5120xf32, #tpu.memory_space<vmem>>[vector<16xi32>], vector<16xf32>,
        %mul3A_407 = arith.constant 16 : i32
        %mul3A_408 = arith.muli %scan3A_388, %mul3A_407 : i32
        %add3A_409 = arith.constant 2048 : i32
        %add3A_410 = arith.addi %add3A_409, %mul3A_408 : i32
        %swap3A_411 = arith.index_cast %add3A_410 : i32 to index
        %swap3A_412 = tpu.vector_load %arg8[%swap3A_411] {strides = array<i32>} : memref<10240xf32, #tpu.memory_space<vmem>>, vector<16xf32>,
        tpu.vector_store %arg8[%swap3A_411], %gather3A_406 {strides = array<i32>} : memref<10240xf32, #tpu.memory_space<vmem>>, vector<16xf32>,
        %add3A_413 = arith.constant 2048 : i32
        %add3A_414 = vector.broadcast %add3A_413 : i32 to vector<16xi32>
        %add3A_415 = arith.addi %get3A_392, %add3A_414 : vector<16xi32>
        %gather3A_416 = tpu.vector_load_idx %arg5[%add3A_415] : memref<5120xf32, #tpu.memory_space<vmem>>[vector<16xi32>], vector<16xf32>,
        %mul3A_417 = arith.constant 16 : i32
        %mul3A_418 = arith.muli %scan3A_388, %mul3A_417 : i32
        %add3A_419 = arith.constant 4096 : i32
        %add3A_420 = arith.addi %add3A_419, %mul3A_418 : i32
        %swap3A_421 = arith.index_cast %add3A_420 : i32 to index
        %swap3A_422 = tpu.vector_load %arg8[%swap3A_421] {strides = array<i32>} : memref<10240xf32, #tpu.memory_space<vmem>>, vector<16xf32>,
        tpu.vector_store %arg8[%swap3A_421], %gather3A_416 {strides = array<i32>} : memref<10240xf32, #tpu.memory_space<vmem>>, vector<16xf32>,
        %add3A_423 = arith.constant 3072 : i32
        %add3A_424 = vector.broadcast %add3A_423 : i32 to vector<16xi32>
        %add3A_425 = arith.addi %get3A_392, %add3A_424 : vector<16xi32>
        %gather3A_426 = tpu.vector_load_idx %arg5[%add3A_425] : memref<5120xf32, #tpu.memory_space<vmem>>[vector<16xi32>], vector<16xf32>,
        %mul3A_427 = arith.constant 16 : i32
        %mul3A_428 = arith.muli %scan3A_388, %mul3A_427 : i32
        %add3A_429 = arith.constant 6144 : i32
        %add3A_430 = arith.addi %add3A_429, %mul3A_428 : i32
        %swap3A_431 = arith.index_cast %add3A_430 : i32 to index
        %swap3A_432 = tpu.vector_load %arg8[%swap3A_431] {strides = array<i32>} : memref<10240xf32, #tpu.memory_space<vmem>>, vector<16xf32>,
        tpu.vector_store %arg8[%swap3A_431], %gather3A_426 {strides = array<i32>} : memref<10240xf32, #tpu.memory_space<vmem>>, vector<16xf32>,
        %add3A_433 = arith.constant 4096 : i32
        %add3A_434 = vector.broadcast %add3A_433 : i32 to vector<16xi32>
        %add3A_435 = arith.addi %get3A_392, %add3A_434 : vector<16xi32>
        %gather3A_436 = tpu.vector_load_idx %arg5[%add3A_435] : memref<5120xf32, #tpu.memory_space<vmem>>[vector<16xi32>], vector<16xf32>,
        %mul3A_437 = arith.constant 16 : i32
        %mul3A_438 = arith.muli %scan3A_388, %mul3A_437 : i32
        %add3A_439 = arith.constant 8192 : i32
        %add3A_440 = arith.addi %add3A_439, %mul3A_438 : i32
        %swap3A_441 = arith.index_cast %add3A_440 : i32 to index
        %swap3A_442 = tpu.vector_load %arg8[%swap3A_441] {strides = array<i32>} : memref<10240xf32, #tpu.memory_space<vmem>>, vector<16xf32>,
        tpu.vector_store %arg8[%swap3A_441], %gather3A_436 {strides = array<i32>} : memref<10240xf32, #tpu.memory_space<vmem>>, vector<16xf32>,
        %scan3A_443 = arith.constant 0 : i32
        %scan3A_444 = arith.constant 3 : i32
        %scan3A_445 = arith.addi %scan3A_276, %scan3A_444 : i32
        %mul3A_446 = arith.constant 16 : i32
        %mul3A_447 = arith.muli %scan3A_445, %mul3A_446 : i32
        %get3A_448 = arith.index_cast %mul3A_447 : i32 to index
        %get3A_449 = tpu.vector_load %arg6[%get3A_448] {strides = array<i32>} : memref<2048xi32, #tpu.memory_space<vmem>>, vector<16xi32>,
        %add3A_450 = arith.constant 0 : i32
        %add3A_451 = vector.broadcast %add3A_450 : i32 to vector<16xi32>
        %add3A_452 = arith.addi %get3A_449, %add3A_451 : vector<16xi32>
        %gather3A_453 = tpu.vector_load_idx %arg5[%add3A_452] : memref<5120xf32, #tpu.memory_space<vmem>>[vector<16xi32>], vector<16xf32>,
        %mul3A_454 = arith.constant 16 : i32
        %mul3A_455 = arith.muli %scan3A_445, %mul3A_454 : i32
        %add3A_456 = arith.constant 0 : i32
        %add3A_457 = arith.addi %add3A_456, %mul3A_455 : i32
        %swap3A_458 = arith.index_cast %add3A_457 : i32 to index
        %swap3A_459 = tpu.vector_load %arg8[%swap3A_458] {strides = array<i32>} : memref<10240xf32, #tpu.memory_space<vmem>>, vector<16xf32>,
        tpu.vector_store %arg8[%swap3A_458], %gather3A_453 {strides = array<i32>} : memref<10240xf32, #tpu.memory_space<vmem>>, vector<16xf32>,
        %add3A_460 = arith.constant 1024 : i32
        %add3A_461 = vector.broadcast %add3A_460 : i32 to vector<16xi32>
        %add3A_462 = arith.addi %get3A_449, %add3A_461 : vector<16xi32>
        %gather3A_463 = tpu.vector_load_idx %arg5[%add3A_462] : memref<5120xf32, #tpu.memory_space<vmem>>[vector<16xi32>], vector<16xf32>,
        %mul3A_464 = arith.constant 16 : i32
        %mul3A_465 = arith.muli %scan3A_445, %mul3A_464 : i32
        %add3A_466 = arith.constant 2048 : i32
        %add3A_467 = arith.addi %add3A_466, %mul3A_465 : i32
        %swap3A_468 = arith.index_cast %add3A_467 : i32 to index
        %swap3A_469 = tpu.vector_load %arg8[%swap3A_468] {strides = array<i32>} : memref<10240xf32, #tpu.memory_space<vmem>>, vector<16xf32>,
        tpu.vector_store %arg8[%swap3A_468], %gather3A_463 {strides = array<i32>} : memref<10240xf32, #tpu.memory_space<vmem>>, vector<16xf32>,
        %add3A_470 = arith.constant 2048 : i32
        %add3A_471 = vector.broadcast %add3A_470 : i32 to vector<16xi32>
        %add3A_472 = arith.addi %get3A_449, %add3A_471 : vector<16xi32>
        %gather3A_473 = tpu.vector_load_idx %arg5[%add3A_472] : memref<5120xf32, #tpu.memory_space<vmem>>[vector<16xi32>], vector<16xf32>,
        %mul3A_474 = arith.constant 16 : i32
        %mul3A_475 = arith.muli %scan3A_445, %mul3A_474 : i32
        %add3A_476 = arith.constant 4096 : i32
        %add3A_477 = arith.addi %add3A_476, %mul3A_475 : i32
        %swap3A_478 = arith.index_cast %add3A_477 : i32 to index
        %swap3A_479 = tpu.vector_load %arg8[%swap3A_478] {strides = array<i32>} : memref<10240xf32, #tpu.memory_space<vmem>>, vector<16xf32>,
        tpu.vector_store %arg8[%swap3A_478], %gather3A_473 {strides = array<i32>} : memref<10240xf32, #tpu.memory_space<vmem>>, vector<16xf32>,
        %add3A_480 = arith.constant 3072 : i32
        %add3A_481 = vector.broadcast %add3A_480 : i32 to vector<16xi32>
        %add3A_482 = arith.addi %get3A_449, %add3A_481 : vector<16xi32>
        %gather3A_483 = tpu.vector_load_idx %arg5[%add3A_482] : memref<5120xf32, #tpu.memory_space<vmem>>[vector<16xi32>], vector<16xf32>,
        %mul3A_484 = arith.constant 16 : i32
        %mul3A_485 = arith.muli %scan3A_445, %mul3A_484 : i32
        %add3A_486 = arith.constant 6144 : i32
        %add3A_487 = arith.addi %add3A_486, %mul3A_485 : i32
        %swap3A_488 = arith.index_cast %add3A_487 : i32 to index
        %swap3A_489 = tpu.vector_load %arg8[%swap3A_488] {strides = array<i32>} : memref<10240xf32, #tpu.memory_space<vmem>>, vector<16xf32>,
        tpu.vector_store %arg8[%swap3A_488], %gather3A_483 {strides = array<i32>} : memref<10240xf32, #tpu.memory_space<vmem>>, vector<16xf32>,
        %add3A_490 = arith.constant 4096 : i32
        %add3A_491 = vector.broadcast %add3A_490 : i32 to vector<16xi32>
        %add3A_492 = arith.addi %get3A_449, %add3A_491 : vector<16xi32>
        %gather3A_493 = tpu.vector_load_idx %arg5[%add3A_492] : memref<5120xf32, #tpu.memory_space<vmem>>[vector<16xi32>], vector<16xf32>,
        %mul3A_494 = arith.constant 16 : i32
        %mul3A_495 = arith.muli %scan3A_445, %mul3A_494 : i32
        %add3A_496 = arith.constant 8192 : i32
        %add3A_497 = arith.addi %add3A_496, %mul3A_495 : i32
        %swap3A_498 = arith.index_cast %add3A_497 : i32 to index
        %swap3A_499 = tpu.vector_load %arg8[%swap3A_498] {strides = array<i32>} : memref<10240xf32, #tpu.memory_space<vmem>>, vector<16xf32>,
        tpu.vector_store %arg8[%swap3A_498], %gather3A_493 {strides = array<i32>} : memref<10240xf32, #tpu.memory_space<vmem>>, vector<16xf32>,
        %scan3A_500 = arith.constant 0 : i32
        scf.yield %scan3A_500 : i32
      }
      %scan3A_136 = arith.constant 128 : i32
      %add3A_137 = arith.constant 0 : i32
      %add3A_138 = arith.addi %add3A_137, %mul3A_2 : i32
      %mul3A_139 = arith.constant 2048 : i32
      %mul3A_140 = arith.muli %add3A_116, %mul3A_139 : i32
      %add3A_141 = arith.addi %add3A_138, %mul3A_140 : i32
      %dma_start3A_142 = arith.constant 0 : i32
      %dma_start3A_143 = tpu.memref_slice %arg8[%dma_start3A_142] : memref<10240xf32, #tpu.memory_space<vmem>> -> memref<2048xf32, #tpu.memory_space<vmem>>
      %dma_start3A_144 = tpu.memref_slice %arg4[%add3A_141] : memref<16384000xf32, #tpu.memory_space<hbm>> -> memref<2048xf32, #tpu.memory_space<hbm>>
      %dma_start3A_145 = tpu.memref_slice %arg4[%add3A_141] : memref<16384000xf32, #tpu.memory_space<hbm>> -> memref<2048xf32, #tpu.memory_space<hbm>>
      %dma_start3A_146 = arith.constant 0 : i32
      %dma_start3A_147 = tpu.memref_slice %arg8[%dma_start3A_146] : memref<10240xf32, #tpu.memory_space<vmem>> -> memref<2048xf32, #tpu.memory_space<vmem>>
      tpu.enqueue_dma source(%dma_start3A_147 : memref<2048xf32, #tpu.memory_space<vmem>>) target(%dma_start3A_145 : memref<2048xf32, #tpu.memory_space<hbm>>) target_semaphore(%arg12 : memref<!tpu.dma_semaphore, #tpu.memory_space<semaphore_mem>>)
      %add3A_148 = arith.constant 3276800 : i32
      %add3A_149 = arith.addi %add3A_148, %mul3A_2 : i32
      %mul3A_150 = arith.constant 2048 : i32
      %mul3A_151 = arith.muli %add3A_116, %mul3A_150 : i32
      %add3A_152 = arith.addi %add3A_149, %mul3A_151 : i32
      %dma_start3A_153 = arith.constant 2048 : i32
      %dma_start3A_154 = tpu.memref_slice %arg8[%dma_start3A_153] : memref<10240xf32, #tpu.memory_space<vmem>> -> memref<2048xf32, #tpu.memory_space<vmem>>
      %dma_start3A_155 = tpu.memref_slice %arg4[%add3A_152] : memref<16384000xf32, #tpu.memory_space<hbm>> -> memref<2048xf32, #tpu.memory_space<hbm>>
      %dma_start3A_156 = tpu.memref_slice %arg4[%add3A_152] : memref<16384000xf32, #tpu.memory_space<hbm>> -> memref<2048xf32, #tpu.memory_space<hbm>>
      %dma_start3A_157 = arith.constant 2048 : i32
      %dma_start3A_158 = tpu.memref_slice %arg8[%dma_start3A_157] : memref<10240xf32, #tpu.memory_space<vmem>> -> memref<2048xf32, #tpu.memory_space<vmem>>
      tpu.enqueue_dma source(%dma_start3A_158 : memref<2048xf32, #tpu.memory_space<vmem>>) target(%dma_start3A_156 : memref<2048xf32, #tpu.memory_space<hbm>>) target_semaphore(%arg12 : memref<!tpu.dma_semaphore, #tpu.memory_space<semaphore_mem>>)
      %add3A_159 = arith.constant 6553600 : i32
      %add3A_160 = arith.addi %add3A_159, %mul3A_2 : i32
      %mul3A_161 = arith.constant 2048 : i32
      %mul3A_162 = arith.muli %add3A_116, %mul3A_161 : i32
      %add3A_163 = arith.addi %add3A_160, %mul3A_162 : i32
      %dma_start3A_164 = arith.constant 4096 : i32
      %dma_start3A_165 = tpu.memref_slice %arg8[%dma_start3A_164] : memref<10240xf32, #tpu.memory_space<vmem>> -> memref<2048xf32, #tpu.memory_space<vmem>>
      %dma_start3A_166 = tpu.memref_slice %arg4[%add3A_163] : memref<16384000xf32, #tpu.memory_space<hbm>> -> memref<2048xf32, #tpu.memory_space<hbm>>
      %dma_start3A_167 = tpu.memref_slice %arg4[%add3A_163] : memref<16384000xf32, #tpu.memory_space<hbm>> -> memref<2048xf32, #tpu.memory_space<hbm>>
      %dma_start3A_168 = arith.constant 4096 : i32
      %dma_start3A_169 = tpu.memref_slice %arg8[%dma_start3A_168] : memref<10240xf32, #tpu.memory_space<vmem>> -> memref<2048xf32, #tpu.memory_space<vmem>>
      tpu.enqueue_dma source(%dma_start3A_169 : memref<2048xf32, #tpu.memory_space<vmem>>) target(%dma_start3A_167 : memref<2048xf32, #tpu.memory_space<hbm>>) target_semaphore(%arg12 : memref<!tpu.dma_semaphore, #tpu.memory_space<semaphore_mem>>)
      %add3A_170 = arith.constant 9830400 : i32
      %add3A_171 = arith.addi %add3A_170, %mul3A_2 : i32
      %mul3A_172 = arith.constant 2048 : i32
      %mul3A_173 = arith.muli %add3A_116, %mul3A_172 : i32
      %add3A_174 = arith.addi %add3A_171, %mul3A_173 : i32
      %dma_start3A_175 = arith.constant 6144 : i32
      %dma_start3A_176 = tpu.memref_slice %arg8[%dma_start3A_175] : memref<10240xf32, #tpu.memory_space<vmem>> -> memref<2048xf32, #tpu.memory_space<vmem>>
      %dma_start3A_177 = tpu.memref_slice %arg4[%add3A_174] : memref<16384000xf32, #tpu.memory_space<hbm>> -> memref<2048xf32, #tpu.memory_space<hbm>>
      %dma_start3A_178 = tpu.memref_slice %arg4[%add3A_174] : memref<16384000xf32, #tpu.memory_space<hbm>> -> memref<2048xf32, #tpu.memory_space<hbm>>
      %dma_start3A_179 = arith.constant 6144 : i32
      %dma_start3A_180 = tpu.memref_slice %arg8[%dma_start3A_179] : memref<10240xf32, #tpu.memory_space<vmem>> -> memref<2048xf32, #tpu.memory_space<vmem>>
      tpu.enqueue_dma source(%dma_start3A_180 : memref<2048xf32, #tpu.memory_space<vmem>>) target(%dma_start3A_178 : memref<2048xf32, #tpu.memory_space<hbm>>) target_semaphore(%arg12 : memref<!tpu.dma_semaphore, #tpu.memory_space<semaphore_mem>>)
      %add3A_181 = arith.constant 13107200 : i32
      %add3A_182 = arith.addi %add3A_181, %mul3A_2 : i32
      %mul3A_183 = arith.constant 2048 : i32
      %mul3A_184 = arith.muli %add3A_116, %mul3A_183 : i32
      %add3A_185 = arith.addi %add3A_182, %mul3A_184 : i32
      %dma_start3A_186 = arith.constant 8192 : i32
      %dma_start3A_187 = tpu.memref_slice %arg8[%dma_start3A_186] : memref<10240xf32, #tpu.memory_space<vmem>> -> memref<2048xf32, #tpu.memory_space<vmem>>
      %dma_start3A_188 = tpu.memref_slice %arg4[%add3A_185] : memref<16384000xf32, #tpu.memory_space<hbm>> -> memref<2048xf32, #tpu.memory_space<hbm>>
      %dma_start3A_189 = tpu.memref_slice %arg4[%add3A_185] : memref<16384000xf32, #tpu.memory_space<hbm>> -> memref<2048xf32, #tpu.memory_space<hbm>>
      %dma_start3A_190 = arith.constant 8192 : i32
      %dma_start3A_191 = tpu.memref_slice %arg8[%dma_start3A_190] : memref<10240xf32, #tpu.memory_space<vmem>> -> memref<2048xf32, #tpu.memory_space<vmem>>
      tpu.enqueue_dma source(%dma_start3A_191 : memref<2048xf32, #tpu.memory_space<vmem>>) target(%dma_start3A_189 : memref<2048xf32, #tpu.memory_space<hbm>>) target_semaphore(%arg12 : memref<!tpu.dma_semaphore, #tpu.memory_space<semaphore_mem>>)
      %mul3A_192 = arith.constant 2 : i32
      %mul3A_193 = arith.muli %scan3A_111, %mul3A_192 : i32
      %add3A_194 = arith.constant 1 : i32
      %add3A_195 = arith.addi %mul3A_193, %add3A_194 : i32
      %add3A_196 = arith.constant 1 : i32
      %add3A_197 = arith.addi %add3A_195, %add3A_196 : i32
      %lt3A_198 = arith.constant 50 : i32
      %lt3A_199 = arith.cmpi slt, %add3A_197, %lt3A_198 : i32
      %convert_element_type3A_200 = arith.extui %lt3A_199 : i1 to i32
      %cond3A_201 = arith.constant 0 : i32
      %cond3A_202 = arith.cmpi ne, %convert_element_type3A_200, %cond3A_201 : i32
      scf.if %cond3A_202 {
        %add3A_276 = arith.constant 1 : i32
        %add3A_277 = arith.addi %add3A_195, %add3A_276 : i32
        %mul3A_278 = arith.constant 2048 : i32
        %mul3A_279 = arith.muli %add3A_277, %mul3A_278 : i32
        %add3A_280 = arith.addi %mul3A_2, %mul3A_279 : i32
        %dma_start3A_281 = tpu.memref_slice %arg3[%add3A_280] : memref<3276800xi32, #tpu.memory_space<hbm>> -> memref<2048xi32, #tpu.memory_space<hbm>>
        %dma_start3A_282 = tpu.memref_slice %arg3[%add3A_280] : memref<3276800xi32, #tpu.memory_space<hbm>> -> memref<2048xi32, #tpu.memory_space<hbm>>
        tpu.enqueue_dma source(%dma_start3A_282 : memref<2048xi32, #tpu.memory_space<hbm>>) target(%arg6 : memref<2048xi32, #tpu.memory_space<vmem>>) target_semaphore(%arg10 : memref<!tpu.dma_semaphore, #tpu.memory_space<semaphore_mem>>)
      } else {
      }
      %mul3A_203 = arith.constant 2048 : i32
      %mul3A_204 = arith.muli %add3A_195, %mul3A_203 : i32
      %add3A_205 = arith.addi %mul3A_2, %mul3A_204 : i32
      %dma_wait3A_206 = tpu.memref_slice %arg3[%add3A_205] : memref<3276800xi32, #tpu.memory_space<hbm>> -> memref<2048xi32, #tpu.memory_space<hbm>>
      %dma_wait3A_207 = tpu.memref_slice %arg3[%add3A_205] : memref<3276800xi32, #tpu.memory_space<hbm>> -> memref<2048xi32, #tpu.memory_space<hbm>>
      tpu.wait_dma2 semaphore(%arg11 : memref<!tpu.dma_semaphore, #tpu.memory_space<semaphore_mem>>) src(%dma_wait3A_207 : memref<2048xi32, #tpu.memory_space<hbm>>) dst(%arg7 : memref<2048xi32, #tpu.memory_space<vmem>>)
      %ge3A_208 = arith.constant 2 : i32
      %ge3A_209 = arith.cmpi sge, %add3A_195, %ge3A_208 : i32
      %convert_element_type3A_210 = arith.extui %ge3A_209 : i1 to i32
      %cond3A_211 = arith.constant 0 : i32
      %cond3A_212 = arith.cmpi ne, %convert_element_type3A_210, %cond3A_211 : i32
      scf.if %cond3A_212 {
        %add3A_276 = arith.constant 0 : i32
        %add3A_277 = arith.addi %add3A_276, %mul3A_2 : i32
        %mul3A_278 = arith.constant 2048 : i32
        %mul3A_279 = arith.muli %add3A_195, %mul3A_278 : i32
        %add3A_280 = arith.addi %add3A_277, %mul3A_279 : i32
        %dma_wait3A_281 = arith.constant 0 : i32
        %dma_wait3A_282 = tpu.memref_slice %arg9[%dma_wait3A_281] : memref<10240xf32, #tpu.memory_space<vmem>> -> memref<2048xf32, #tpu.memory_space<vmem>>
        %dma_wait3A_283 = tpu.memref_slice %arg4[%add3A_280] : memref<16384000xf32, #tpu.memory_space<hbm>> -> memref<2048xf32, #tpu.memory_space<hbm>>
        %dma_wait3A_284 = tpu.memref_slice %arg4[%add3A_280] : memref<16384000xf32, #tpu.memory_space<hbm>> -> memref<2048xf32, #tpu.memory_space<hbm>>
        %dma_wait3A_285 = arith.constant 0 : i32
        %dma_wait3A_286 = tpu.memref_slice %arg9[%dma_wait3A_285] : memref<10240xf32, #tpu.memory_space<vmem>> -> memref<2048xf32, #tpu.memory_space<vmem>>
        tpu.wait_dma2 semaphore(%arg13 : memref<!tpu.dma_semaphore, #tpu.memory_space<semaphore_mem>>) src(%dma_wait3A_286 : memref<2048xf32, #tpu.memory_space<vmem>>) dst(%dma_wait3A_284 : memref<2048xf32, #tpu.memory_space<hbm>>)
        %add3A_287 = arith.constant 3276800 : i32
        %add3A_288 = arith.addi %add3A_287, %mul3A_2 : i32
        %mul3A_289 = arith.constant 2048 : i32
        %mul3A_290 = arith.muli %add3A_195, %mul3A_289 : i32
        %add3A_291 = arith.addi %add3A_288, %mul3A_290 : i32
        %dma_wait3A_292 = arith.constant 2048 : i32
        %dma_wait3A_293 = tpu.memref_slice %arg9[%dma_wait3A_292] : memref<10240xf32, #tpu.memory_space<vmem>> -> memref<2048xf32, #tpu.memory_space<vmem>>
        %dma_wait3A_294 = tpu.memref_slice %arg4[%add3A_291] : memref<16384000xf32, #tpu.memory_space<hbm>> -> memref<2048xf32, #tpu.memory_space<hbm>>
        %dma_wait3A_295 = tpu.memref_slice %arg4[%add3A_291] : memref<16384000xf32, #tpu.memory_space<hbm>> -> memref<2048xf32, #tpu.memory_space<hbm>>
        %dma_wait3A_296 = arith.constant 2048 : i32
        %dma_wait3A_297 = tpu.memref_slice %arg9[%dma_wait3A_296] : memref<10240xf32, #tpu.memory_space<vmem>> -> memref<2048xf32, #tpu.memory_space<vmem>>
        tpu.wait_dma2 semaphore(%arg13 : memref<!tpu.dma_semaphore, #tpu.memory_space<semaphore_mem>>) src(%dma_wait3A_297 : memref<2048xf32, #tpu.memory_space<vmem>>) dst(%dma_wait3A_295 : memref<2048xf32, #tpu.memory_space<hbm>>)
        %add3A_298 = arith.constant 6553600 : i32
        %add3A_299 = arith.addi %add3A_298, %mul3A_2 : i32
        %mul3A_300 = arith.constant 2048 : i32
        %mul3A_301 = arith.muli %add3A_195, %mul3A_300 : i32
        %add3A_302 = arith.addi %add3A_299, %mul3A_301 : i32
        %dma_wait3A_303 = arith.constant 4096 : i32
        %dma_wait3A_304 = tpu.memref_slice %arg9[%dma_wait3A_303] : memref<10240xf32, #tpu.memory_space<vmem>> -> memref<2048xf32, #tpu.memory_space<vmem>>
        %dma_wait3A_305 = tpu.memref_slice %arg4[%add3A_302] : memref<16384000xf32, #tpu.memory_space<hbm>> -> memref<2048xf32, #tpu.memory_space<hbm>>
        %dma_wait3A_306 = tpu.memref_slice %arg4[%add3A_302] : memref<16384000xf32, #tpu.memory_space<hbm>> -> memref<2048xf32, #tpu.memory_space<hbm>>
        %dma_wait3A_307 = arith.constant 4096 : i32
        %dma_wait3A_308 = tpu.memref_slice %arg9[%dma_wait3A_307] : memref<10240xf32, #tpu.memory_space<vmem>> -> memref<2048xf32, #tpu.memory_space<vmem>>
        tpu.wait_dma2 semaphore(%arg13 : memref<!tpu.dma_semaphore, #tpu.memory_space<semaphore_mem>>) src(%dma_wait3A_308 : memref<2048xf32, #tpu.memory_space<vmem>>) dst(%dma_wait3A_306 : memref<2048xf32, #tpu.memory_space<hbm>>)
        %add3A_309 = arith.constant 9830400 : i32
        %add3A_310 = arith.addi %add3A_309, %mul3A_2 : i32
        %mul3A_311 = arith.constant 2048 : i32
        %mul3A_312 = arith.muli %add3A_195, %mul3A_311 : i32
        %add3A_313 = arith.addi %add3A_310, %mul3A_312 : i32
        %dma_wait3A_314 = arith.constant 6144 : i32
        %dma_wait3A_315 = tpu.memref_slice %arg9[%dma_wait3A_314] : memref<10240xf32, #tpu.memory_space<vmem>> -> memref<2048xf32, #tpu.memory_space<vmem>>
        %dma_wait3A_316 = tpu.memref_slice %arg4[%add3A_313] : memref<16384000xf32, #tpu.memory_space<hbm>> -> memref<2048xf32, #tpu.memory_space<hbm>>
        %dma_wait3A_317 = tpu.memref_slice %arg4[%add3A_313] : memref<16384000xf32, #tpu.memory_space<hbm>> -> memref<2048xf32, #tpu.memory_space<hbm>>
        %dma_wait3A_318 = arith.constant 6144 : i32
        %dma_wait3A_319 = tpu.memref_slice %arg9[%dma_wait3A_318] : memref<10240xf32, #tpu.memory_space<vmem>> -> memref<2048xf32, #tpu.memory_space<vmem>>
        tpu.wait_dma2 semaphore(%arg13 : memref<!tpu.dma_semaphore, #tpu.memory_space<semaphore_mem>>) src(%dma_wait3A_319 : memref<2048xf32, #tpu.memory_space<vmem>>) dst(%dma_wait3A_317 : memref<2048xf32, #tpu.memory_space<hbm>>)
        %add3A_320 = arith.constant 13107200 : i32
        %add3A_321 = arith.addi %add3A_320, %mul3A_2 : i32
        %mul3A_322 = arith.constant 2048 : i32
        %mul3A_323 = arith.muli %add3A_195, %mul3A_322 : i32
        %add3A_324 = arith.addi %add3A_321, %mul3A_323 : i32
        %dma_wait3A_325 = arith.constant 8192 : i32
        %dma_wait3A_326 = tpu.memref_slice %arg9[%dma_wait3A_325] : memref<10240xf32, #tpu.memory_space<vmem>> -> memref<2048xf32, #tpu.memory_space<vmem>>
        %dma_wait3A_327 = tpu.memref_slice %arg4[%add3A_324] : memref<16384000xf32, #tpu.memory_space<hbm>> -> memref<2048xf32, #tpu.memory_space<hbm>>
        %dma_wait3A_328 = tpu.memref_slice %arg4[%add3A_324] : memref<16384000xf32, #tpu.memory_space<hbm>> -> memref<2048xf32, #tpu.memory_space<hbm>>
        %dma_wait3A_329 = arith.constant 8192 : i32
        %dma_wait3A_330 = tpu.memref_slice %arg9[%dma_wait3A_329] : memref<10240xf32, #tpu.memory_space<vmem>> -> memref<2048xf32, #tpu.memory_space<vmem>>
        tpu.wait_dma2 semaphore(%arg13 : memref<!tpu.dma_semaphore, #tpu.memory_space<semaphore_mem>>) src(%dma_wait3A_330 : memref<2048xf32, #tpu.memory_space<vmem>>) dst(%dma_wait3A_328 : memref<2048xf32, #tpu.memory_space<hbm>>)
      } else {
      }
      %scan3A_213 = arith.constant 0 : i32
      %scan3A_214 = arith.constant 0 : i32
      %scan3A_215 = arith.constant 128 : i32
      %scan3A_216 = arith.addi %scan3A_214, %scan3A_215 : i32
      %scan3A_217 = arith.constant 4 : i32
      %scan3A_218 = scf.for %scan3A_276 = %scan3A_214 to %scan3A_216 step %scan3A_217 iter_args(%scan3A_277 = %scan3A_213) -> (i32)  : i32 {
        %mul3A_278 = arith.constant 16 : i32
        %mul3A_279 = arith.muli %scan3A_276, %mul3A_278 : i32
        %get3A = arith.index_cast %mul3A_279 : i32 to index
        %get3A_280 = tpu.vector_load %arg7[%get3A] {strides = array<i32>} : memref<2048xi32, #tpu.memory_space<vmem>>, vector<16xi32>,
        %add3A_281 = arith.constant 0 : i32
        %add3A_282 = vector.broadcast %add3A_281 : i32 to vector<16xi32>
        %add3A_283 = arith.addi %get3A_280, %add3A_282 : vector<16xi32>
        %gather3A = tpu.vector_load_idx %arg5[%add3A_283] : memref<5120xf32, #tpu.memory_space<vmem>>[vector<16xi32>], vector<16xf32>,
        %mul3A_284 = arith.constant 16 : i32
        %mul3A_285 = arith.muli %scan3A_276, %mul3A_284 : i32
        %add3A_286 = arith.constant 0 : i32
        %add3A_287 = arith.addi %add3A_286, %mul3A_285 : i32
        %swap3A = arith.index_cast %add3A_287 : i32 to index
        %swap3A_288 = tpu.vector_load %arg9[%swap3A] {strides = array<i32>} : memref<10240xf32, #tpu.memory_space<vmem>>, vector<16xf32>,
        tpu.vector_store %arg9[%swap3A], %gather3A {strides = array<i32>} : memref<10240xf32, #tpu.memory_space<vmem>>, vector<16xf32>,
        %add3A_289 = arith.constant 1024 : i32
        %add3A_290 = vector.broadcast %add3A_289 : i32 to vector<16xi32>
        %add3A_291 = arith.addi %get3A_280, %add3A_290 : vector<16xi32>
        %gather3A_292 = tpu.vector_load_idx %arg5[%add3A_291] : memref<5120xf32, #tpu.memory_space<vmem>>[vector<16xi32>], vector<16xf32>,
        %mul3A_293 = arith.constant 16 : i32
        %mul3A_294 = arith.muli %scan3A_276, %mul3A_293 : i32
        %add3A_295 = arith.constant 2048 : i32
        %add3A_296 = arith.addi %add3A_295, %mul3A_294 : i32
        %swap3A_297 = arith.index_cast %add3A_296 : i32 to index
        %swap3A_298 = tpu.vector_load %arg9[%swap3A_297] {strides = array<i32>} : memref<10240xf32, #tpu.memory_space<vmem>>, vector<16xf32>,
        tpu.vector_store %arg9[%swap3A_297], %gather3A_292 {strides = array<i32>} : memref<10240xf32, #tpu.memory_space<vmem>>, vector<16xf32>,
        %add3A_299 = arith.constant 2048 : i32
        %add3A_300 = vector.broadcast %add3A_299 : i32 to vector<16xi32>
        %add3A_301 = arith.addi %get3A_280, %add3A_300 : vector<16xi32>
        %gather3A_302 = tpu.vector_load_idx %arg5[%add3A_301] : memref<5120xf32, #tpu.memory_space<vmem>>[vector<16xi32>], vector<16xf32>,
        %mul3A_303 = arith.constant 16 : i32
        %mul3A_304 = arith.muli %scan3A_276, %mul3A_303 : i32
        %add3A_305 = arith.constant 4096 : i32
        %add3A_306 = arith.addi %add3A_305, %mul3A_304 : i32
        %swap3A_307 = arith.index_cast %add3A_306 : i32 to index
        %swap3A_308 = tpu.vector_load %arg9[%swap3A_307] {strides = array<i32>} : memref<10240xf32, #tpu.memory_space<vmem>>, vector<16xf32>,
        tpu.vector_store %arg9[%swap3A_307], %gather3A_302 {strides = array<i32>} : memref<10240xf32, #tpu.memory_space<vmem>>, vector<16xf32>,
        %add3A_309 = arith.constant 3072 : i32
        %add3A_310 = vector.broadcast %add3A_309 : i32 to vector<16xi32>
        %add3A_311 = arith.addi %get3A_280, %add3A_310 : vector<16xi32>
        %gather3A_312 = tpu.vector_load_idx %arg5[%add3A_311] : memref<5120xf32, #tpu.memory_space<vmem>>[vector<16xi32>], vector<16xf32>,
        %mul3A_313 = arith.constant 16 : i32
        %mul3A_314 = arith.muli %scan3A_276, %mul3A_313 : i32
        %add3A_315 = arith.constant 6144 : i32
        %add3A_316 = arith.addi %add3A_315, %mul3A_314 : i32
        %swap3A_317 = arith.index_cast %add3A_316 : i32 to index
        %swap3A_318 = tpu.vector_load %arg9[%swap3A_317] {strides = array<i32>} : memref<10240xf32, #tpu.memory_space<vmem>>, vector<16xf32>,
        tpu.vector_store %arg9[%swap3A_317], %gather3A_312 {strides = array<i32>} : memref<10240xf32, #tpu.memory_space<vmem>>, vector<16xf32>,
        %add3A_319 = arith.constant 4096 : i32
        %add3A_320 = vector.broadcast %add3A_319 : i32 to vector<16xi32>
        %add3A_321 = arith.addi %get3A_280, %add3A_320 : vector<16xi32>
        %gather3A_322 = tpu.vector_load_idx %arg5[%add3A_321] : memref<5120xf32, #tpu.memory_space<vmem>>[vector<16xi32>], vector<16xf32>,
        %mul3A_323 = arith.constant 16 : i32
        %mul3A_324 = arith.muli %scan3A_276, %mul3A_323 : i32
        %add3A_325 = arith.constant 8192 : i32
        %add3A_326 = arith.addi %add3A_325, %mul3A_324 : i32
        %swap3A_327 = arith.index_cast %add3A_326 : i32 to index
        %swap3A_328 = tpu.vector_load %arg9[%swap3A_327] {strides = array<i32>} : memref<10240xf32, #tpu.memory_space<vmem>>, vector<16xf32>,
        tpu.vector_store %arg9[%swap3A_327], %gather3A_322 {strides = array<i32>} : memref<10240xf32, #tpu.memory_space<vmem>>, vector<16xf32>,
        %scan3A_329 = arith.constant 0 : i32
        %scan3A_330 = arith.constant 1 : i32
        %scan3A_331 = arith.addi %scan3A_276, %scan3A_330 : i32
        %mul3A_332 = arith.constant 16 : i32
        %mul3A_333 = arith.muli %scan3A_331, %mul3A_332 : i32
        %get3A_334 = arith.index_cast %mul3A_333 : i32 to index
        %get3A_335 = tpu.vector_load %arg7[%get3A_334] {strides = array<i32>} : memref<2048xi32, #tpu.memory_space<vmem>>, vector<16xi32>,
        %add3A_336 = arith.constant 0 : i32
        %add3A_337 = vector.broadcast %add3A_336 : i32 to vector<16xi32>
        %add3A_338 = arith.addi %get3A_335, %add3A_337 : vector<16xi32>
        %gather3A_339 = tpu.vector_load_idx %arg5[%add3A_338] : memref<5120xf32, #tpu.memory_space<vmem>>[vector<16xi32>], vector<16xf32>,
        %mul3A_340 = arith.constant 16 : i32
        %mul3A_341 = arith.muli %scan3A_331, %mul3A_340 : i32
        %add3A_342 = arith.constant 0 : i32
        %add3A_343 = arith.addi %add3A_342, %mul3A_341 : i32
        %swap3A_344 = arith.index_cast %add3A_343 : i32 to index
        %swap3A_345 = tpu.vector_load %arg9[%swap3A_344] {strides = array<i32>} : memref<10240xf32, #tpu.memory_space<vmem>>, vector<16xf32>,
        tpu.vector_store %arg9[%swap3A_344], %gather3A_339 {strides = array<i32>} : memref<10240xf32, #tpu.memory_space<vmem>>, vector<16xf32>,
        %add3A_346 = arith.constant 1024 : i32
        %add3A_347 = vector.broadcast %add3A_346 : i32 to vector<16xi32>
        %add3A_348 = arith.addi %get3A_335, %add3A_347 : vector<16xi32>
        %gather3A_349 = tpu.vector_load_idx %arg5[%add3A_348] : memref<5120xf32, #tpu.memory_space<vmem>>[vector<16xi32>], vector<16xf32>,
        %mul3A_350 = arith.constant 16 : i32
        %mul3A_351 = arith.muli %scan3A_331, %mul3A_350 : i32
        %add3A_352 = arith.constant 2048 : i32
        %add3A_353 = arith.addi %add3A_352, %mul3A_351 : i32
        %swap3A_354 = arith.index_cast %add3A_353 : i32 to index
        %swap3A_355 = tpu.vector_load %arg9[%swap3A_354] {strides = array<i32>} : memref<10240xf32, #tpu.memory_space<vmem>>, vector<16xf32>,
        tpu.vector_store %arg9[%swap3A_354], %gather3A_349 {strides = array<i32>} : memref<10240xf32, #tpu.memory_space<vmem>>, vector<16xf32>,
        %add3A_356 = arith.constant 2048 : i32
        %add3A_357 = vector.broadcast %add3A_356 : i32 to vector<16xi32>
        %add3A_358 = arith.addi %get3A_335, %add3A_357 : vector<16xi32>
        %gather3A_359 = tpu.vector_load_idx %arg5[%add3A_358] : memref<5120xf32, #tpu.memory_space<vmem>>[vector<16xi32>], vector<16xf32>,
        %mul3A_360 = arith.constant 16 : i32
        %mul3A_361 = arith.muli %scan3A_331, %mul3A_360 : i32
        %add3A_362 = arith.constant 4096 : i32
        %add3A_363 = arith.addi %add3A_362, %mul3A_361 : i32
        %swap3A_364 = arith.index_cast %add3A_363 : i32 to index
        %swap3A_365 = tpu.vector_load %arg9[%swap3A_364] {strides = array<i32>} : memref<10240xf32, #tpu.memory_space<vmem>>, vector<16xf32>,
        tpu.vector_store %arg9[%swap3A_364], %gather3A_359 {strides = array<i32>} : memref<10240xf32, #tpu.memory_space<vmem>>, vector<16xf32>,
        %add3A_366 = arith.constant 3072 : i32
        %add3A_367 = vector.broadcast %add3A_366 : i32 to vector<16xi32>
        %add3A_368 = arith.addi %get3A_335, %add3A_367 : vector<16xi32>
        %gather3A_369 = tpu.vector_load_idx %arg5[%add3A_368] : memref<5120xf32, #tpu.memory_space<vmem>>[vector<16xi32>], vector<16xf32>,
        %mul3A_370 = arith.constant 16 : i32
        %mul3A_371 = arith.muli %scan3A_331, %mul3A_370 : i32
        %add3A_372 = arith.constant 6144 : i32
        %add3A_373 = arith.addi %add3A_372, %mul3A_371 : i32
        %swap3A_374 = arith.index_cast %add3A_373 : i32 to index
        %swap3A_375 = tpu.vector_load %arg9[%swap3A_374] {strides = array<i32>} : memref<10240xf32, #tpu.memory_space<vmem>>, vector<16xf32>,
        tpu.vector_store %arg9[%swap3A_374], %gather3A_369 {strides = array<i32>} : memref<10240xf32, #tpu.memory_space<vmem>>, vector<16xf32>,
        %add3A_376 = arith.constant 4096 : i32
        %add3A_377 = vector.broadcast %add3A_376 : i32 to vector<16xi32>
        %add3A_378 = arith.addi %get3A_335, %add3A_377 : vector<16xi32>
        %gather3A_379 = tpu.vector_load_idx %arg5[%add3A_378] : memref<5120xf32, #tpu.memory_space<vmem>>[vector<16xi32>], vector<16xf32>,
        %mul3A_380 = arith.constant 16 : i32
        %mul3A_381 = arith.muli %scan3A_331, %mul3A_380 : i32
        %add3A_382 = arith.constant 8192 : i32
        %add3A_383 = arith.addi %add3A_382, %mul3A_381 : i32
        %swap3A_384 = arith.index_cast %add3A_383 : i32 to index
        %swap3A_385 = tpu.vector_load %arg9[%swap3A_384] {strides = array<i32>} : memref<10240xf32, #tpu.memory_space<vmem>>, vector<16xf32>,
        tpu.vector_store %arg9[%swap3A_384], %gather3A_379 {strides = array<i32>} : memref<10240xf32, #tpu.memory_space<vmem>>, vector<16xf32>,
        %scan3A_386 = arith.constant 0 : i32
        %scan3A_387 = arith.constant 2 : i32
        %scan3A_388 = arith.addi %scan3A_276, %scan3A_387 : i32
        %mul3A_389 = arith.constant 16 : i32
        %mul3A_390 = arith.muli %scan3A_388, %mul3A_389 : i32
        %get3A_391 = arith.index_cast %mul3A_390 : i32 to index
        %get3A_392 = tpu.vector_load %arg7[%get3A_391] {strides = array<i32>} : memref<2048xi32, #tpu.memory_space<vmem>>, vector<16xi32>,
        %add3A_393 = arith.constant 0 : i32
        %add3A_394 = vector.broadcast %add3A_393 : i32 to vector<16xi32>
        %add3A_395 = arith.addi %get3A_392, %add3A_394 : vector<16xi32>
        %gather3A_396 = tpu.vector_load_idx %arg5[%add3A_395] : memref<5120xf32, #tpu.memory_space<vmem>>[vector<16xi32>], vector<16xf32>,
        %mul3A_397 = arith.constant 16 : i32
        %mul3A_398 = arith.muli %scan3A_388, %mul3A_397 : i32
        %add3A_399 = arith.constant 0 : i32
        %add3A_400 = arith.addi %add3A_399, %mul3A_398 : i32
        %swap3A_401 = arith.index_cast %add3A_400 : i32 to index
        %swap3A_402 = tpu.vector_load %arg9[%swap3A_401] {strides = array<i32>} : memref<10240xf32, #tpu.memory_space<vmem>>, vector<16xf32>,
        tpu.vector_store %arg9[%swap3A_401], %gather3A_396 {strides = array<i32>} : memref<10240xf32, #tpu.memory_space<vmem>>, vector<16xf32>,
        %add3A_403 = arith.constant 1024 : i32
        %add3A_404 = vector.broadcast %add3A_403 : i32 to vector<16xi32>
        %add3A_405 = arith.addi %get3A_392, %add3A_404 : vector<16xi32>
        %gather3A_406 = tpu.vector_load_idx %arg5[%add3A_405] : memref<5120xf32, #tpu.memory_space<vmem>>[vector<16xi32>], vector<16xf32>,
        %mul3A_407 = arith.constant 16 : i32
        %mul3A_408 = arith.muli %scan3A_388, %mul3A_407 : i32
        %add3A_409 = arith.constant 2048 : i32
        %add3A_410 = arith.addi %add3A_409, %mul3A_408 : i32
        %swap3A_411 = arith.index_cast %add3A_410 : i32 to index
        %swap3A_412 = tpu.vector_load %arg9[%swap3A_411] {strides = array<i32>} : memref<10240xf32, #tpu.memory_space<vmem>>, vector<16xf32>,
        tpu.vector_store %arg9[%swap3A_411], %gather3A_406 {strides = array<i32>} : memref<10240xf32, #tpu.memory_space<vmem>>, vector<16xf32>,
        %add3A_413 = arith.constant 2048 : i32
        %add3A_414 = vector.broadcast %add3A_413 : i32 to vector<16xi32>
        %add3A_415 = arith.addi %get3A_392, %add3A_414 : vector<16xi32>
        %gather3A_416 = tpu.vector_load_idx %arg5[%add3A_415] : memref<5120xf32, #tpu.memory_space<vmem>>[vector<16xi32>], vector<16xf32>,
        %mul3A_417 = arith.constant 16 : i32
        %mul3A_418 = arith.muli %scan3A_388, %mul3A_417 : i32
        %add3A_419 = arith.constant 4096 : i32
        %add3A_420 = arith.addi %add3A_419, %mul3A_418 : i32
        %swap3A_421 = arith.index_cast %add3A_420 : i32 to index
        %swap3A_422 = tpu.vector_load %arg9[%swap3A_421] {strides = array<i32>} : memref<10240xf32, #tpu.memory_space<vmem>>, vector<16xf32>,
        tpu.vector_store %arg9[%swap3A_421], %gather3A_416 {strides = array<i32>} : memref<10240xf32, #tpu.memory_space<vmem>>, vector<16xf32>,
        %add3A_423 = arith.constant 3072 : i32
        %add3A_424 = vector.broadcast %add3A_423 : i32 to vector<16xi32>
        %add3A_425 = arith.addi %get3A_392, %add3A_424 : vector<16xi32>
        %gather3A_426 = tpu.vector_load_idx %arg5[%add3A_425] : memref<5120xf32, #tpu.memory_space<vmem>>[vector<16xi32>], vector<16xf32>,
        %mul3A_427 = arith.constant 16 : i32
        %mul3A_428 = arith.muli %scan3A_388, %mul3A_427 : i32
        %add3A_429 = arith.constant 6144 : i32
        %add3A_430 = arith.addi %add3A_429, %mul3A_428 : i32
        %swap3A_431 = arith.index_cast %add3A_430 : i32 to index
        %swap3A_432 = tpu.vector_load %arg9[%swap3A_431] {strides = array<i32>} : memref<10240xf32, #tpu.memory_space<vmem>>, vector<16xf32>,
        tpu.vector_store %arg9[%swap3A_431], %gather3A_426 {strides = array<i32>} : memref<10240xf32, #tpu.memory_space<vmem>>, vector<16xf32>,
        %add3A_433 = arith.constant 4096 : i32
        %add3A_434 = vector.broadcast %add3A_433 : i32 to vector<16xi32>
        %add3A_435 = arith.addi %get3A_392, %add3A_434 : vector<16xi32>
        %gather3A_436 = tpu.vector_load_idx %arg5[%add3A_435] : memref<5120xf32, #tpu.memory_space<vmem>>[vector<16xi32>], vector<16xf32>,
        %mul3A_437 = arith.constant 16 : i32
        %mul3A_438 = arith.muli %scan3A_388, %mul3A_437 : i32
        %add3A_439 = arith.constant 8192 : i32
        %add3A_440 = arith.addi %add3A_439, %mul3A_438 : i32
        %swap3A_441 = arith.index_cast %add3A_440 : i32 to index
        %swap3A_442 = tpu.vector_load %arg9[%swap3A_441] {strides = array<i32>} : memref<10240xf32, #tpu.memory_space<vmem>>, vector<16xf32>,
        tpu.vector_store %arg9[%swap3A_441], %gather3A_436 {strides = array<i32>} : memref<10240xf32, #tpu.memory_space<vmem>>, vector<16xf32>,
        %scan3A_443 = arith.constant 0 : i32
        %scan3A_444 = arith.constant 3 : i32
        %scan3A_445 = arith.addi %scan3A_276, %scan3A_444 : i32
        %mul3A_446 = arith.constant 16 : i32
        %mul3A_447 = arith.muli %scan3A_445, %mul3A_446 : i32
        %get3A_448 = arith.index_cast %mul3A_447 : i32 to index
        %get3A_449 = tpu.vector_load %arg7[%get3A_448] {strides = array<i32>} : memref<2048xi32, #tpu.memory_space<vmem>>, vector<16xi32>,
        %add3A_450 = arith.constant 0 : i32
        %add3A_451 = vector.broadcast %add3A_450 : i32 to vector<16xi32>
        %add3A_452 = arith.addi %get3A_449, %add3A_451 : vector<16xi32>
        %gather3A_453 = tpu.vector_load_idx %arg5[%add3A_452] : memref<5120xf32, #tpu.memory_space<vmem>>[vector<16xi32>], vector<16xf32>,
        %mul3A_454 = arith.constant 16 : i32
        %mul3A_455 = arith.muli %scan3A_445, %mul3A_454 : i32
        %add3A_456 = arith.constant 0 : i32
        %add3A_457 = arith.addi %add3A_456, %mul3A_455 : i32
        %swap3A_458 = arith.index_cast %add3A_457 : i32 to index
        %swap3A_459 = tpu.vector_load %arg9[%swap3A_458] {strides = array<i32>} : memref<10240xf32, #tpu.memory_space<vmem>>, vector<16xf32>,
        tpu.vector_store %arg9[%swap3A_458], %gather3A_453 {strides = array<i32>} : memref<10240xf32, #tpu.memory_space<vmem>>, vector<16xf32>,
        %add3A_460 = arith.constant 1024 : i32
        %add3A_461 = vector.broadcast %add3A_460 : i32 to vector<16xi32>
        %add3A_462 = arith.addi %get3A_449, %add3A_461 : vector<16xi32>
        %gather3A_463 = tpu.vector_load_idx %arg5[%add3A_462] : memref<5120xf32, #tpu.memory_space<vmem>>[vector<16xi32>], vector<16xf32>,
        %mul3A_464 = arith.constant 16 : i32
        %mul3A_465 = arith.muli %scan3A_445, %mul3A_464 : i32
        %add3A_466 = arith.constant 2048 : i32
        %add3A_467 = arith.addi %add3A_466, %mul3A_465 : i32
        %swap3A_468 = arith.index_cast %add3A_467 : i32 to index
        %swap3A_469 = tpu.vector_load %arg9[%swap3A_468] {strides = array<i32>} : memref<10240xf32, #tpu.memory_space<vmem>>, vector<16xf32>,
        tpu.vector_store %arg9[%swap3A_468], %gather3A_463 {strides = array<i32>} : memref<10240xf32, #tpu.memory_space<vmem>>, vector<16xf32>,
        %add3A_470 = arith.constant 2048 : i32
        %add3A_471 = vector.broadcast %add3A_470 : i32 to vector<16xi32>
        %add3A_472 = arith.addi %get3A_449, %add3A_471 : vector<16xi32>
        %gather3A_473 = tpu.vector_load_idx %arg5[%add3A_472] : memref<5120xf32, #tpu.memory_space<vmem>>[vector<16xi32>], vector<16xf32>,
        %mul3A_474 = arith.constant 16 : i32
        %mul3A_475 = arith.muli %scan3A_445, %mul3A_474 : i32
        %add3A_476 = arith.constant 4096 : i32
        %add3A_477 = arith.addi %add3A_476, %mul3A_475 : i32
        %swap3A_478 = arith.index_cast %add3A_477 : i32 to index
        %swap3A_479 = tpu.vector_load %arg9[%swap3A_478] {strides = array<i32>} : memref<10240xf32, #tpu.memory_space<vmem>>, vector<16xf32>,
        tpu.vector_store %arg9[%swap3A_478], %gather3A_473 {strides = array<i32>} : memref<10240xf32, #tpu.memory_space<vmem>>, vector<16xf32>,
        %add3A_480 = arith.constant 3072 : i32
        %add3A_481 = vector.broadcast %add3A_480 : i32 to vector<16xi32>
        %add3A_482 = arith.addi %get3A_449, %add3A_481 : vector<16xi32>
        %gather3A_483 = tpu.vector_load_idx %arg5[%add3A_482] : memref<5120xf32, #tpu.memory_space<vmem>>[vector<16xi32>], vector<16xf32>,
        %mul3A_484 = arith.constant 16 : i32
        %mul3A_485 = arith.muli %scan3A_445, %mul3A_484 : i32
        %add3A_486 = arith.constant 6144 : i32
        %add3A_487 = arith.addi %add3A_486, %mul3A_485 : i32
        %swap3A_488 = arith.index_cast %add3A_487 : i32 to index
        %swap3A_489 = tpu.vector_load %arg9[%swap3A_488] {strides = array<i32>} : memref<10240xf32, #tpu.memory_space<vmem>>, vector<16xf32>,
        tpu.vector_store %arg9[%swap3A_488], %gather3A_483 {strides = array<i32>} : memref<10240xf32, #tpu.memory_space<vmem>>, vector<16xf32>,
        %add3A_490 = arith.constant 4096 : i32
        %add3A_491 = vector.broadcast %add3A_490 : i32 to vector<16xi32>
        %add3A_492 = arith.addi %get3A_449, %add3A_491 : vector<16xi32>
        %gather3A_493 = tpu.vector_load_idx %arg5[%add3A_492] : memref<5120xf32, #tpu.memory_space<vmem>>[vector<16xi32>], vector<16xf32>,
        %mul3A_494 = arith.constant 16 : i32
        %mul3A_495 = arith.muli %scan3A_445, %mul3A_494 : i32
        %add3A_496 = arith.constant 8192 : i32
        %add3A_497 = arith.addi %add3A_496, %mul3A_495 : i32
        %swap3A_498 = arith.index_cast %add3A_497 : i32 to index
        %swap3A_499 = tpu.vector_load %arg9[%swap3A_498] {strides = array<i32>} : memref<10240xf32, #tpu.memory_space<vmem>>, vector<16xf32>,
        tpu.vector_store %arg9[%swap3A_498], %gather3A_493 {strides = array<i32>} : memref<10240xf32, #tpu.memory_space<vmem>>, vector<16xf32>,
        %scan3A_500 = arith.constant 0 : i32
        scf.yield %scan3A_500 : i32
      }
      %scan3A_219 = arith.constant 128 : i32
      %add3A_220 = arith.constant 0 : i32
      %add3A_221 = arith.addi %add3A_220, %mul3A_2 : i32
      %mul3A_222 = arith.constant 2048 : i32
      %mul3A_223 = arith.muli %add3A_195, %mul3A_222 : i32
      %add3A_224 = arith.addi %add3A_221, %mul3A_223 : i32
      %dma_start3A_225 = arith.constant 0 : i32
      %dma_start3A_226 = tpu.memref_slice %arg9[%dma_start3A_225] : memref<10240xf32, #tpu.memory_space<vmem>> -> memref<2048xf32, #tpu.memory_space<vmem>>
      %dma_start3A_227 = tpu.memref_slice %arg4[%add3A_224] : memref<16384000xf32, #tpu.memory_space<hbm>> -> memref<2048xf32, #tpu.memory_space<hbm>>
      %dma_start3A_228 = tpu.memref_slice %arg4[%add3A_224] : memref<16384000xf32, #tpu.memory_space<hbm>> -> memref<2048xf32, #tpu.memory_space<hbm>>
      %dma_start3A_229 = arith.constant 0 : i32
      %dma_start3A_230 = tpu.memref_slice %arg9[%dma_start3A_229] : memref<10240xf32, #tpu.memory_space<vmem>> -> memref<2048xf32, #tpu.memory_space<vmem>>
      tpu.enqueue_dma source(%dma_start3A_230 : memref<2048xf32, #tpu.memory_space<vmem>>) target(%dma_start3A_228 : memref<2048xf32, #tpu.memory_space<hbm>>) target_semaphore(%arg13 : memref<!tpu.dma_semaphore, #tpu.memory_space<semaphore_mem>>)
      %add3A_231 = arith.constant 3276800 : i32
      %add3A_232 = arith.addi %add3A_231, %mul3A_2 : i32
      %mul3A_233 = arith.constant 2048 : i32
      %mul3A_234 = arith.muli %add3A_195, %mul3A_233 : i32
      %add3A_235 = arith.addi %add3A_232, %mul3A_234 : i32
      %dma_start3A_236 = arith.constant 2048 : i32
      %dma_start3A_237 = tpu.memref_slice %arg9[%dma_start3A_236] : memref<10240xf32, #tpu.memory_space<vmem>> -> memref<2048xf32, #tpu.memory_space<vmem>>
      %dma_start3A_238 = tpu.memref_slice %arg4[%add3A_235] : memref<16384000xf32, #tpu.memory_space<hbm>> -> memref<2048xf32, #tpu.memory_space<hbm>>
      %dma_start3A_239 = tpu.memref_slice %arg4[%add3A_235] : memref<16384000xf32, #tpu.memory_space<hbm>> -> memref<2048xf32, #tpu.memory_space<hbm>>
      %dma_start3A_240 = arith.constant 2048 : i32
      %dma_start3A_241 = tpu.memref_slice %arg9[%dma_start3A_240] : memref<10240xf32, #tpu.memory_space<vmem>> -> memref<2048xf32, #tpu.memory_space<vmem>>
      tpu.enqueue_dma source(%dma_start3A_241 : memref<2048xf32, #tpu.memory_space<vmem>>) target(%dma_start3A_239 : memref<2048xf32, #tpu.memory_space<hbm>>) target_semaphore(%arg13 : memref<!tpu.dma_semaphore, #tpu.memory_space<semaphore_mem>>)
      %add3A_242 = arith.constant 6553600 : i32
      %add3A_243 = arith.addi %add3A_242, %mul3A_2 : i32
      %mul3A_244 = arith.constant 2048 : i32
      %mul3A_245 = arith.muli %add3A_195, %mul3A_244 : i32
      %add3A_246 = arith.addi %add3A_243, %mul3A_245 : i32
      %dma_start3A_247 = arith.constant 4096 : i32
      %dma_start3A_248 = tpu.memref_slice %arg9[%dma_start3A_247] : memref<10240xf32, #tpu.memory_space<vmem>> -> memref<2048xf32, #tpu.memory_space<vmem>>
      %dma_start3A_249 = tpu.memref_slice %arg4[%add3A_246] : memref<16384000xf32, #tpu.memory_space<hbm>> -> memref<2048xf32, #tpu.memory_space<hbm>>
      %dma_start3A_250 = tpu.memref_slice %arg4[%add3A_246] : memref<16384000xf32, #tpu.memory_space<hbm>> -> memref<2048xf32, #tpu.memory_space<hbm>>
      %dma_start3A_251 = arith.constant 4096 : i32
      %dma_start3A_252 = tpu.memref_slice %arg9[%dma_start3A_251] : memref<10240xf32, #tpu.memory_space<vmem>> -> memref<2048xf32, #tpu.memory_space<vmem>>
      tpu.enqueue_dma source(%dma_start3A_252 : memref<2048xf32, #tpu.memory_space<vmem>>) target(%dma_start3A_250 : memref<2048xf32, #tpu.memory_space<hbm>>) target_semaphore(%arg13 : memref<!tpu.dma_semaphore, #tpu.memory_space<semaphore_mem>>)
      %add3A_253 = arith.constant 9830400 : i32
      %add3A_254 = arith.addi %add3A_253, %mul3A_2 : i32
      %mul3A_255 = arith.constant 2048 : i32
      %mul3A_256 = arith.muli %add3A_195, %mul3A_255 : i32
      %add3A_257 = arith.addi %add3A_254, %mul3A_256 : i32
      %dma_start3A_258 = arith.constant 6144 : i32
      %dma_start3A_259 = tpu.memref_slice %arg9[%dma_start3A_258] : memref<10240xf32, #tpu.memory_space<vmem>> -> memref<2048xf32, #tpu.memory_space<vmem>>
      %dma_start3A_260 = tpu.memref_slice %arg4[%add3A_257] : memref<16384000xf32, #tpu.memory_space<hbm>> -> memref<2048xf32, #tpu.memory_space<hbm>>
      %dma_start3A_261 = tpu.memref_slice %arg4[%add3A_257] : memref<16384000xf32, #tpu.memory_space<hbm>> -> memref<2048xf32, #tpu.memory_space<hbm>>
      %dma_start3A_262 = arith.constant 6144 : i32
      %dma_start3A_263 = tpu.memref_slice %arg9[%dma_start3A_262] : memref<10240xf32, #tpu.memory_space<vmem>> -> memref<2048xf32, #tpu.memory_space<vmem>>
      tpu.enqueue_dma source(%dma_start3A_263 : memref<2048xf32, #tpu.memory_space<vmem>>) target(%dma_start3A_261 : memref<2048xf32, #tpu.memory_space<hbm>>) target_semaphore(%arg13 : memref<!tpu.dma_semaphore, #tpu.memory_space<semaphore_mem>>)
      %add3A_264 = arith.constant 13107200 : i32
      %add3A_265 = arith.addi %add3A_264, %mul3A_2 : i32
      %mul3A_266 = arith.constant 2048 : i32
      %mul3A_267 = arith.muli %add3A_195, %mul3A_266 : i32
      %add3A_268 = arith.addi %add3A_265, %mul3A_267 : i32
      %dma_start3A_269 = arith.constant 8192 : i32
      %dma_start3A_270 = tpu.memref_slice %arg9[%dma_start3A_269] : memref<10240xf32, #tpu.memory_space<vmem>> -> memref<2048xf32, #tpu.memory_space<vmem>>
      %dma_start3A_271 = tpu.memref_slice %arg4[%add3A_268] : memref<16384000xf32, #tpu.memory_space<hbm>> -> memref<2048xf32, #tpu.memory_space<hbm>>
      %dma_start3A_272 = tpu.memref_slice %arg4[%add3A_268] : memref<16384000xf32, #tpu.memory_space<hbm>> -> memref<2048xf32, #tpu.memory_space<hbm>>
      %dma_start3A_273 = arith.constant 8192 : i32
      %dma_start3A_274 = tpu.memref_slice %arg9[%dma_start3A_273] : memref<10240xf32, #tpu.memory_space<vmem>> -> memref<2048xf32, #tpu.memory_space<vmem>>
      tpu.enqueue_dma source(%dma_start3A_274 : memref<2048xf32, #tpu.memory_space<vmem>>) target(%dma_start3A_272 : memref<2048xf32, #tpu.memory_space<hbm>>) target_semaphore(%arg13 : memref<!tpu.dma_semaphore, #tpu.memory_space<semaphore_mem>>)
      %scan3A_275 = arith.constant 0 : i32
      scf.yield %scan3A_275 : i32
    }
    %scan3A_11 = arith.constant 25 : i32
    %add3A_12 = arith.constant 0 : i32
    %add3A_13 = arith.addi %add3A_12, %mul3A_2 : i32
    %add3A_14 = arith.constant 98304 : i32
    %add3A_15 = arith.addi %add3A_13, %add3A_14 : i32
    %dma_wait3A = arith.constant 0 : i32
    %dma_wait3A_16 = tpu.memref_slice %arg8[%dma_wait3A] : memref<10240xf32, #tpu.memory_space<vmem>> -> memref<2048xf32, #tpu.memory_space<vmem>>
    %dma_wait3A_17 = tpu.memref_slice %arg4[%add3A_15] : memref<16384000xf32, #tpu.memory_space<hbm>> -> memref<2048xf32, #tpu.memory_space<hbm>>
    %dma_wait3A_18 = tpu.memref_slice %arg4[%add3A_15] : memref<16384000xf32, #tpu.memory_space<hbm>> -> memref<2048xf32, #tpu.memory_space<hbm>>
    %dma_wait3A_19 = arith.constant 0 : i32
    %dma_wait3A_20 = tpu.memref_slice %arg8[%dma_wait3A_19] : memref<10240xf32, #tpu.memory_space<vmem>> -> memref<2048xf32, #tpu.memory_space<vmem>>
    tpu.wait_dma2 semaphore(%arg12 : memref<!tpu.dma_semaphore, #tpu.memory_space<semaphore_mem>>) src(%dma_wait3A_20 : memref<2048xf32, #tpu.memory_space<vmem>>) dst(%dma_wait3A_18 : memref<2048xf32, #tpu.memory_space<hbm>>)
    %add3A_21 = arith.constant 3276800 : i32
    %add3A_22 = arith.addi %add3A_21, %mul3A_2 : i32
    %add3A_23 = arith.constant 98304 : i32
    %add3A_24 = arith.addi %add3A_22, %add3A_23 : i32
    %dma_wait3A_25 = arith.constant 2048 : i32
    %dma_wait3A_26 = tpu.memref_slice %arg8[%dma_wait3A_25] : memref<10240xf32, #tpu.memory_space<vmem>> -> memref<2048xf32, #tpu.memory_space<vmem>>
    %dma_wait3A_27 = tpu.memref_slice %arg4[%add3A_24] : memref<16384000xf32, #tpu.memory_space<hbm>> -> memref<2048xf32, #tpu.memory_space<hbm>>
    %dma_wait3A_28 = tpu.memref_slice %arg4[%add3A_24] : memref<16384000xf32, #tpu.memory_space<hbm>> -> memref<2048xf32, #tpu.memory_space<hbm>>
    %dma_wait3A_29 = arith.constant 2048 : i32
    %dma_wait3A_30 = tpu.memref_slice %arg8[%dma_wait3A_29] : memref<10240xf32, #tpu.memory_space<vmem>> -> memref<2048xf32, #tpu.memory_space<vmem>>
    tpu.wait_dma2 semaphore(%arg12 : memref<!tpu.dma_semaphore, #tpu.memory_space<semaphore_mem>>) src(%dma_wait3A_30 : memref<2048xf32, #tpu.memory_space<vmem>>) dst(%dma_wait3A_28 : memref<2048xf32, #tpu.memory_space<hbm>>)
    %add3A_31 = arith.constant 6553600 : i32
    %add3A_32 = arith.addi %add3A_31, %mul3A_2 : i32
    %add3A_33 = arith.constant 98304 : i32
    %add3A_34 = arith.addi %add3A_32, %add3A_33 : i32
    %dma_wait3A_35 = arith.constant 4096 : i32
    %dma_wait3A_36 = tpu.memref_slice %arg8[%dma_wait3A_35] : memref<10240xf32, #tpu.memory_space<vmem>> -> memref<2048xf32, #tpu.memory_space<vmem>>
    %dma_wait3A_37 = tpu.memref_slice %arg4[%add3A_34] : memref<16384000xf32, #tpu.memory_space<hbm>> -> memref<2048xf32, #tpu.memory_space<hbm>>
    %dma_wait3A_38 = tpu.memref_slice %arg4[%add3A_34] : memref<16384000xf32, #tpu.memory_space<hbm>> -> memref<2048xf32, #tpu.memory_space<hbm>>
    %dma_wait3A_39 = arith.constant 4096 : i32
    %dma_wait3A_40 = tpu.memref_slice %arg8[%dma_wait3A_39] : memref<10240xf32, #tpu.memory_space<vmem>> -> memref<2048xf32, #tpu.memory_space<vmem>>
    tpu.wait_dma2 semaphore(%arg12 : memref<!tpu.dma_semaphore, #tpu.memory_space<semaphore_mem>>) src(%dma_wait3A_40 : memref<2048xf32, #tpu.memory_space<vmem>>) dst(%dma_wait3A_38 : memref<2048xf32, #tpu.memory_space<hbm>>)
    %add3A_41 = arith.constant 9830400 : i32
    %add3A_42 = arith.addi %add3A_41, %mul3A_2 : i32
    %add3A_43 = arith.constant 98304 : i32
    %add3A_44 = arith.addi %add3A_42, %add3A_43 : i32
    %dma_wait3A_45 = arith.constant 6144 : i32
    %dma_wait3A_46 = tpu.memref_slice %arg8[%dma_wait3A_45] : memref<10240xf32, #tpu.memory_space<vmem>> -> memref<2048xf32, #tpu.memory_space<vmem>>
    %dma_wait3A_47 = tpu.memref_slice %arg4[%add3A_44] : memref<16384000xf32, #tpu.memory_space<hbm>> -> memref<2048xf32, #tpu.memory_space<hbm>>
    %dma_wait3A_48 = tpu.memref_slice %arg4[%add3A_44] : memref<16384000xf32, #tpu.memory_space<hbm>> -> memref<2048xf32, #tpu.memory_space<hbm>>
    %dma_wait3A_49 = arith.constant 6144 : i32
    %dma_wait3A_50 = tpu.memref_slice %arg8[%dma_wait3A_49] : memref<10240xf32, #tpu.memory_space<vmem>> -> memref<2048xf32, #tpu.memory_space<vmem>>
    tpu.wait_dma2 semaphore(%arg12 : memref<!tpu.dma_semaphore, #tpu.memory_space<semaphore_mem>>) src(%dma_wait3A_50 : memref<2048xf32, #tpu.memory_space<vmem>>) dst(%dma_wait3A_48 : memref<2048xf32, #tpu.memory_space<hbm>>)
    %add3A_51 = arith.constant 13107200 : i32
    %add3A_52 = arith.addi %add3A_51, %mul3A_2 : i32
    %add3A_53 = arith.constant 98304 : i32
    %add3A_54 = arith.addi %add3A_52, %add3A_53 : i32
    %dma_wait3A_55 = arith.constant 8192 : i32
    %dma_wait3A_56 = tpu.memref_slice %arg8[%dma_wait3A_55] : memref<10240xf32, #tpu.memory_space<vmem>> -> memref<2048xf32, #tpu.memory_space<vmem>>
    %dma_wait3A_57 = tpu.memref_slice %arg4[%add3A_54] : memref<16384000xf32, #tpu.memory_space<hbm>> -> memref<2048xf32, #tpu.memory_space<hbm>>
    %dma_wait3A_58 = tpu.memref_slice %arg4[%add3A_54] : memref<16384000xf32, #tpu.memory_space<hbm>> -> memref<2048xf32, #tpu.memory_space<hbm>>
    %dma_wait3A_59 = arith.constant 8192 : i32
    %dma_wait3A_60 = tpu.memref_slice %arg8[%dma_wait3A_59] : memref<10240xf32, #tpu.memory_space<vmem>> -> memref<2048xf32, #tpu.memory_space<vmem>>
    tpu.wait_dma2 semaphore(%arg12 : memref<!tpu.dma_semaphore, #tpu.memory_space<semaphore_mem>>) src(%dma_wait3A_60 : memref<2048xf32, #tpu.memory_space<vmem>>) dst(%dma_wait3A_58 : memref<2048xf32, #tpu.memory_space<hbm>>)
    %add3A_61 = arith.constant 0 : i32
    %add3A_62 = arith.addi %add3A_61, %mul3A_2 : i32
    %add3A_63 = arith.constant 100352 : i32
    %add3A_64 = arith.addi %add3A_62, %add3A_63 : i32
    %dma_wait3A_65 = arith.constant 0 : i32
    %dma_wait3A_66 = tpu.memref_slice %arg9[%dma_wait3A_65] : memref<10240xf32, #tpu.memory_space<vmem>> -> memref<2048xf32, #tpu.memory_space<vmem>>
    %dma_wait3A_67 = tpu.memref_slice %arg4[%add3A_64] : memref<16384000xf32, #tpu.memory_space<hbm>> -> memref<2048xf32, #tpu.memory_space<hbm>>
    %dma_wait3A_68 = tpu.memref_slice %arg4[%add3A_64] : memref<16384000xf32, #tpu.memory_space<hbm>> -> memref<2048xf32, #tpu.memory_space<hbm>>
    %dma_wait3A_69 = arith.constant 0 : i32
    %dma_wait3A_70 = tpu.memref_slice %arg9[%dma_wait3A_69] : memref<10240xf32, #tpu.memory_space<vmem>> -> memref<2048xf32, #tpu.memory_space<vmem>>
    tpu.wait_dma2 semaphore(%arg13 : memref<!tpu.dma_semaphore, #tpu.memory_space<semaphore_mem>>) src(%dma_wait3A_70 : memref<2048xf32, #tpu.memory_space<vmem>>) dst(%dma_wait3A_68 : memref<2048xf32, #tpu.memory_space<hbm>>)
    %add3A_71 = arith.constant 3276800 : i32
    %add3A_72 = arith.addi %add3A_71, %mul3A_2 : i32
    %add3A_73 = arith.constant 100352 : i32
    %add3A_74 = arith.addi %add3A_72, %add3A_73 : i32
    %dma_wait3A_75 = arith.constant 2048 : i32
    %dma_wait3A_76 = tpu.memref_slice %arg9[%dma_wait3A_75] : memref<10240xf32, #tpu.memory_space<vmem>> -> memref<2048xf32, #tpu.memory_space<vmem>>
    %dma_wait3A_77 = tpu.memref_slice %arg4[%add3A_74] : memref<16384000xf32, #tpu.memory_space<hbm>> -> memref<2048xf32, #tpu.memory_space<hbm>>
    %dma_wait3A_78 = tpu.memref_slice %arg4[%add3A_74] : memref<16384000xf32, #tpu.memory_space<hbm>> -> memref<2048xf32, #tpu.memory_space<hbm>>
    %dma_wait3A_79 = arith.constant 2048 : i32
    %dma_wait3A_80 = tpu.memref_slice %arg9[%dma_wait3A_79] : memref<10240xf32, #tpu.memory_space<vmem>> -> memref<2048xf32, #tpu.memory_space<vmem>>
    tpu.wait_dma2 semaphore(%arg13 : memref<!tpu.dma_semaphore, #tpu.memory_space<semaphore_mem>>) src(%dma_wait3A_80 : memref<2048xf32, #tpu.memory_space<vmem>>) dst(%dma_wait3A_78 : memref<2048xf32, #tpu.memory_space<hbm>>)
    %add3A_81 = arith.constant 6553600 : i32
    %add3A_82 = arith.addi %add3A_81, %mul3A_2 : i32
    %add3A_83 = arith.constant 100352 : i32
    %add3A_84 = arith.addi %add3A_82, %add3A_83 : i32
    %dma_wait3A_85 = arith.constant 4096 : i32
    %dma_wait3A_86 = tpu.memref_slice %arg9[%dma_wait3A_85] : memref<10240xf32, #tpu.memory_space<vmem>> -> memref<2048xf32, #tpu.memory_space<vmem>>
    %dma_wait3A_87 = tpu.memref_slice %arg4[%add3A_84] : memref<16384000xf32, #tpu.memory_space<hbm>> -> memref<2048xf32, #tpu.memory_space<hbm>>
    %dma_wait3A_88 = tpu.memref_slice %arg4[%add3A_84] : memref<16384000xf32, #tpu.memory_space<hbm>> -> memref<2048xf32, #tpu.memory_space<hbm>>
    %dma_wait3A_89 = arith.constant 4096 : i32
    %dma_wait3A_90 = tpu.memref_slice %arg9[%dma_wait3A_89] : memref<10240xf32, #tpu.memory_space<vmem>> -> memref<2048xf32, #tpu.memory_space<vmem>>
    tpu.wait_dma2 semaphore(%arg13 : memref<!tpu.dma_semaphore, #tpu.memory_space<semaphore_mem>>) src(%dma_wait3A_90 : memref<2048xf32, #tpu.memory_space<vmem>>) dst(%dma_wait3A_88 : memref<2048xf32, #tpu.memory_space<hbm>>)
    %add3A_91 = arith.constant 9830400 : i32
    %add3A_92 = arith.addi %add3A_91, %mul3A_2 : i32
    %add3A_93 = arith.constant 100352 : i32
    %add3A_94 = arith.addi %add3A_92, %add3A_93 : i32
    %dma_wait3A_95 = arith.constant 6144 : i32
    %dma_wait3A_96 = tpu.memref_slice %arg9[%dma_wait3A_95] : memref<10240xf32, #tpu.memory_space<vmem>> -> memref<2048xf32, #tpu.memory_space<vmem>>
    %dma_wait3A_97 = tpu.memref_slice %arg4[%add3A_94] : memref<16384000xf32, #tpu.memory_space<hbm>> -> memref<2048xf32, #tpu.memory_space<hbm>>
    %dma_wait3A_98 = tpu.memref_slice %arg4[%add3A_94] : memref<16384000xf32, #tpu.memory_space<hbm>> -> memref<2048xf32, #tpu.memory_space<hbm>>
    %dma_wait3A_99 = arith.constant 6144 : i32
    %dma_wait3A_100 = tpu.memref_slice %arg9[%dma_wait3A_99] : memref<10240xf32, #tpu.memory_space<vmem>> -> memref<2048xf32, #tpu.memory_space<vmem>>
    tpu.wait_dma2 semaphore(%arg13 : memref<!tpu.dma_semaphore, #tpu.memory_space<semaphore_mem>>) src(%dma_wait3A_100 : memref<2048xf32, #tpu.memory_space<vmem>>) dst(%dma_wait3A_98 : memref<2048xf32, #tpu.memory_space<hbm>>)
    %add3A_101 = arith.constant 13107200 : i32
    %add3A_102 = arith.addi %add3A_101, %mul3A_2 : i32
    %add3A_103 = arith.constant 100352 : i32
    %add3A_104 = arith.addi %add3A_102, %add3A_103 : i32
    %dma_wait3A_105 = arith.constant 8192 : i32
    %dma_wait3A_106 = tpu.memref_slice %arg9[%dma_wait3A_105] : memref<10240xf32, #tpu.memory_space<vmem>> -> memref<2048xf32, #tpu.memory_space<vmem>>
    %dma_wait3A_107 = tpu.memref_slice %arg4[%add3A_104] : memref<16384000xf32, #tpu.memory_space<hbm>> -> memref<2048xf32, #tpu.memory_space<hbm>>
    %dma_wait3A_108 = tpu.memref_slice %arg4[%add3A_104] : memref<16384000xf32, #tpu.memory_space<hbm>> -> memref<2048xf32, #tpu.memory_space<hbm>>
    %dma_wait3A_109 = arith.constant 8192 : i32
    %dma_wait3A_110 = tpu.memref_slice %arg9[%dma_wait3A_109] : memref<10240xf32, #tpu.memory_space<vmem>> -> memref<2048xf32, #tpu.memory_space<vmem>>
    tpu.wait_dma2 semaphore(%arg13 : memref<!tpu.dma_semaphore, #tpu.memory_space<semaphore_mem>>) src(%dma_wait3A_110 : memref<2048xf32, #tpu.memory_space<vmem>>) dst(%dma_wait3A_108 : memref<2048xf32, #tpu.memory_space<hbm>>)
    return
  }
}

module attributes {stable_mosaic.version = 14 : i64} {
  func.func @_proj_body(%arg0: memref<11x1024xf32, #tpu.memory_space<vmem>>, %arg1: memref<5x11xf32, #tpu.memory_space<vmem>>, %arg2: memref<5x1xf32, #tpu.memory_space<vmem>>, %arg3: memref<5x1024xf32, #tpu.memory_space<vmem>>) attributes {dimension_semantics = [], scalar_prefetch = 0 : i64, scratch_operands = 0 : i64, tpu.core_type = #tpu.core_type<tc>} {
    %get3A = arith.constant 0 : index
    %get3A_0 = arith.constant 0 : index
    %get3A_1 = vector.load %arg1[%get3A, %get3A_0] : memref<5x11xf32, #tpu.memory_space<vmem>>, vector<5x11xf32>
    %get3A_2 = arith.constant 0 : index
    %get3A_3 = arith.constant 0 : index
    %get3A_4 = vector.load %arg0[%get3A_2, %get3A_3] : memref<11x1024xf32, #tpu.memory_space<vmem>>, vector<11x1024xf32>
    %dot_general3A = arith.constant dense<0.000000e+00> : vector<5x1024xf32>
    %dot_general3A_5 = tpu.matmul %get3A_1, %get3A_4, %dot_general3A {dimension_numbers = #tpu.dot_dimension_numbers<[1], [0], [0], [1], [0, 0, 1, 1], [], []>, transpose_lhs_hint = false} : vector<5x11xf32>, vector<11x1024xf32>, vector<5x1024xf32> -> vector<5x1024xf32>
    %get3A_6 = arith.constant 0 : index
    %get3A_7 = arith.constant 0 : index
    %get3A_8 = vector.load %arg2[%get3A_6, %get3A_7] : memref<5x1xf32, #tpu.memory_space<vmem>>, vector<5x1xf32>
    %add3A = vector.broadcast %get3A_8 : vector<5x1xf32> to vector<5x1024xf32>
    %add3A_9 = arith.addf %dot_general3A_5, %add3A : vector<5x1024xf32>
    %tanh3A = math.tanh %add3A_9 : vector<5x1024xf32>
    %swap3A = arith.constant 0 : index
    %swap3A_10 = arith.constant 0 : index
    %swap3A_11 = vector.load %arg3[%swap3A, %swap3A_10] : memref<5x1024xf32, #tpu.memory_space<vmem>>, vector<5x1024xf32>
    tpu.vector_store %arg3[%swap3A, %swap3A_10], %tanh3A {strides = array<i32>} : memref<5x1024xf32, #tpu.memory_space<vmem>>, vector<5x1024xf32>,
    return
  }
}

</mosaic_0001>

<sc_bundles>
// kernel: kernel.4.cloned.1.call-start
scs
__scs_entry_jumppad:
0x0: {  	(pc) =	sbr.rel $0x88, $3  }
0x1: {  	(tag) =	ssettag $0x0;
	lr =	simm.s32 $0x1  }
0x2: {  	[smem:$0x3F9D] =	sst lr;
	_ =	strace $0xD0000000  }
0x3: {  	_ = 	snop  }
0x4: {  	_ = 	snop  }
0x5: {  	_ = 	snop  }
0x6: {  	_ = 	snop  }
0x7: {  	_ = 	snop  }
__scs_overlays_trampoline_lowered:
0x8: {  	[smem:$0x3FAC] =	sst s0  }
0x9: {  	[smem:$0x3FAD] =	sst s1  }
0xa: {  	[smem:$0x3FAE] =	sst s2  }
0xb: {  	[smem:$0x3FAF] =	sst s3  }
0xc: {  	[smem:$0x3FB0] =	sst s4  }
0xd: {  	[smem:$0x3FB1] =	sst s5  }
0xe: {  	[smem:$0x3FB2] =	sst s6  }
0xf: {  	[smem:$0x3FB3] =	sst s7  }
0x10: {  	[smem:$0x3FB4] =	sst s8  }
0x11: {  	[smem:$0x3FB5] =	sst s9;
	s0 =	simm.s32 @!p0 $0x0  }
0x12: {  	s1 =	sld [smem:$0x3F9B];
	s0 =	simm.s32 @p0 $0x1  }
0x13: {  	[smem:$0x3FB6] =	sst s0;
	s0 =	simm.s32 @!p1 $0x0  }
0x14: {  	s2 =	sld [smem:$0x3F9A];
	s0 =	simm.s32 @p1 $0x1  }
0x15: {  	[smem:$0x3FB7] =	sst s0;
	s0 =	simm.s32 @!p2 $0x0  }
0x16: {  	s3 =	sld [smem:$0x3FDB];
	s0 =	simm.s32 @p2 $0x1  }
0x17: {  	s4 =	simm.s32 $0x1BF5;
	[smem:$0x3FB9] =	sst s0  }
0x18: {  	s0 =	sld [smem:$0x3F9C];
	_ =	swait.ge [sflag:s4], $0x0  }
0x19: {  	s7 =	sld [smem:$0x3F9D]  }
0x1a: {  	s8 =	sadd.s32 $0xFFFFE003, lr  }
0x1b: {  	s9 =	sadd.s32 $0xFFFFFEF7, lr;
	s5 =	simm.s32 $0xFFFFFFFF;
	p2 =	slt.u32 s8, $0xFFFFF086  }
0x1c: {  	p1 =	slt.u32 s9, $0xF7A;
	s5 =	simm.s32 @!p2 $0x0  }
0x1d: {  	s5 =	simm.s32 @p1 $0x1;
	p0 =	seq.s32 s7, s2  }
0x1e: {  	s7 =	smul.u32 @!p0 $0xF7A, s2;
	p2 =	seq.s32 @!p0 s5, $0x0  }
0x1f: {  	s9 =	smul.u32 $0xF7A, s1;
	s8 =	simm.s32 @!p0 $0x1BF5;
	p2 =	por !p2, p0  }
0x20: {  	[sflag:s8] =	ssyncset.s32 @!p0 $0xFFFFF086;
	s6 =	sadd.s32 @!p0 s3, s7;
	s7 =	simm.s32 @!p0 $0x108  }
0x21: {  	s3 =	sadd.s32 s3, s9;
	s6 =	sadd.s32 @!p0 $0x88, s6;
	s7 =	simm.s32 @p2 $0x1082  }
0x22: {  	[simem:s7], [sflag:s8] =	dma.local @!p0 [hbm:s6], $0xF7A  }
0x23: {  	s9 =	sor.u32 $0xD0000000, s2;
	s6 =	simm.s32 $0x108;
	_ =	swait.ge @!p0 [sflag:s8], $0x0  }
0x24: {  	s3 =	sadd.s32 $0x88, s3;
	s6 =	simm.s32 @!p1 $0x1082;
	[sflag:s4] =	ssyncset.s32 $0xFFFFF086  }
0x25: {  	[simem:s6], [sflag:s4] =	dma.local [hbm:s3], $0xF7A  }
0x26: {  	[smem:$0x3F9D] =	sst s1;
	(tag) =	ssettag s2;
	_ =	strace s9  }
0x27: {  	s1 =	sld [smem:$0x3FAD]  }
0x28: {  	s2 =	sld [smem:$0x3FAE]  }
0x29: {  	s4 =	sld [smem:$0x3FB0]  }
0x2a: {  	p0 =	seq.s32 s5, $0x0;
	s5 =	sld [smem:$0x3FB1]  }
0x2b: {  	s6 =	sld [smem:$0x3FB2]  }
0x2c: {  	s7 =	sld [smem:$0x3FB3]  }
0x2d: {  	s3 =	simm.s32 $0x108;
	s8 =	sld [smem:$0x3FB4]  }
0x2e: {  	s3 =	simm.s32 @!p0 $0x1082;
	s9 =	sld [smem:$0x3FB5]  }
0x2f: {  	lr =	sadd.s32 s0, s3;
	s0 =	sld [smem:$0x3FAC]  }
0x30: {  	s3 =	sld [smem:$0x3FAF]  }
0x31: {  	[smem:$0x3FB8] =	sst s10  }
0x32: {  	s10 =	sld [smem:$0x3FB6];
	_ =	sdelay $0x3  }
0x33: {  	p0 =	seq.s32 s10, $0x1;
	s10 =	sld [smem:$0x3FB8];
	_ =	sdelay $0x3  }
0x34: {  	[smem:$0x3FB8] =	sst s10  }
0x35: {  	s10 =	sld [smem:$0x3FB7];
	_ =	sdelay $0x3  }
0x36: {  	p1 =	seq.s32 s10, $0x1;
	s10 =	sld [smem:$0x3FB8];
	_ =	sdelay $0x3  }
0x37: {  	[smem:$0x3FB8] =	sst s10  }
0x38: {  	s10 =	sld [smem:$0x3FB9]  }
0x39: {  	_ = 	snop;
	(pc) =	sbr.ind lr, $3  }
0x3a: {  	_ = 	snop  }
0x3b: {  	_ = 	snop  }
0x3c: {  	p2 =	seq.s32 s10, $0x1;
	s10 =	sld [smem:$0x3FB8]  }
0x3d: {  	_ =	shalt  }
0x3e: {  	_ =	shalt  }
0x3f: {  	_ =	shalt  }
0x40: {  	_ =	shalt  }
0x41: {  	_ =	shalt  }
0x42: {  	_ =	shalt  }
0x43: {  	_ =	shalt  }
0x44: {  	_ =	shalt  }
0x45: {  	_ =	shalt  }
0x46: {  	_ =	shalt  }
0x47: {  	_ =	shalt  }
0x48: {  	_ =	shalt  }
0x49: {  	_ =	shalt  }
0x4a: {  	_ =	shalt  }
0x4b: {  	_ =	shalt  }
0x4c: {  	_ =	shalt  }
0x4d: {  	_ =	shalt  }
0x4e: {  	_ =	shalt  }
0x4f: {  	_ =	shalt  }
0x50: {  	_ =	shalt  }
0x51: {  	_ =	shalt  }
0x52: {  	_ =	shalt  }
0x53: {  	_ =	shalt  }
0x54: {  	_ =	shalt  }
0x55: {  	_ =	shalt  }
0x56: {  	_ =	shalt  }
0x57: {  	_ =	shalt  }
0x58: {  	_ =	shalt  }
0x59: {  	_ =	shalt  }
0x5a: {  	_ =	shalt  }
0x5b: {  	_ =	shalt  }
0x5c: {  	_ =	shalt  }
0x5d: {  	_ =	shalt  }
0x5e: {  	_ =	shalt  }
0x5f: {  	_ =	shalt  }
0x60: {  	_ =	shalt  }
0x61: {  	_ =	shalt  }
0x62: {  	_ =	shalt  }
0x63: {  	_ =	shalt  }
0x64: {  	_ =	shalt  }
0x65: {  	_ =	shalt  }
0x66: {  	_ =	shalt  }
0x67: {  	_ =	shalt  }
0x68: {  	_ =	shalt  }
0x69: {  	_ =	shalt  }
0x6a: {  	_ =	shalt  }
0x6b: {  	_ =	shalt  }
0x6c: {  	_ =	shalt  }
0x6d: {  	_ =	shalt  }
0x6e: {  	_ =	shalt  }
0x6f: {  	_ =	shalt  }
0x70: {  	_ =	shalt  }
0x71: {  	_ =	shalt  }
0x72: {  	_ =	shalt  }
0x73: {  	_ =	shalt  }
0x74: {  	_ =	shalt  }
0x75: {  	_ =	shalt  }
0x76: {  	_ =	shalt  }
0x77: {  	_ =	shalt  }
0x78: {  	_ =	shalt  }
0x79: {  	_ =	shalt  }
0x7a: {  	_ =	shalt  }
0x7b: {  	_ =	shalt  }
0x7c: {  	_ =	shalt  }
0x7d: {  	_ =	shalt  }
0x7e: {  	_ =	shalt  }
0x7f: {  	_ =	shalt  }
0x80: {  	_ =	shalt  }
0x81: {  	_ =	shalt  }
0x82: {  	_ =	shalt  }
0x83: {  	_ =	shalt  }
0x84: {  	_ =	shalt  }
0x85: {  	_ =	shalt  }
0x86: {  	_ =	shalt  }
0x87: {  	_ =	shalt  }
.Lfunc_end0:
.L_simem_size_0:
called_computation_lowered:
.L_overlay_start_0:
0x88: {  	s2 =	sld [smem:$0x3FD9]  }
0x89: {  	s3 =	sld [smem:$0x3FFE];
	_ =	sdelay $0x1  }
0x8a: {  	s1 =	srdreg.scid  }
0x8b: {  	s0 =	sand.u32 $0x1, s1  }
0x8c: {  	s17 =	sshll.u32 s0, $0xA;
	s2 =	sadd.s32 s3, s2  }
0x8d: {  	s2 =	sadd.s32 s2, s17  }
0x8e: {  	[smem:$0x3FC4] =	sst s2  }
0x8f: {  	_ = 	snop  }
0x90: {  	s2 =	sld [smem:$0x3FC9]  }
0x91: {  	s18 =	sld [smem:$0x3FD0];
	(tm) =	ssettm $0x1  }
0x92: {  	s4 =	sld [smem:$0x3FFB];
	_ =	sdelay $0x3  }
0x93: {  	_ =	strace s4  }
0x94: {  	s4 =	sld [smem:$0x3FFC];
	_ =	sdelay $0x3  }
0x95: {  	_ =	strace s4  }
0x96: {  	s4 =	sld [smem:$0x3FFD];
	_ =	sdelay $0x3  }
0x97: {  	_ =	strace s4  }
0x98: {  	_ =	strace $0x8FFFFFFF  }
0x99: {  	s19 =	sld [smem:$0x3FDB];
	_ =	sdelay $0x1  }
0x9a: {  	s5 =	simm.s32 $_scs_section_size  }
0x9b: {  	s6 =	simm.s32 $_size__tile_overlayer_lowered;
	s7 =	simm.s32 $_tile_overlayer_lowered  }
0x9c: {  	s22 =	simm.s32 $0x1BFF;
	s21 =	sshll.u32 s7, $0x1;
	s4 =	sadd.s32 s5, s19  }
0x9d: {  	s8 =	simm.s32 $0x0;
	s20 =	sshll.u32 s6, $0x1;
	s6 =	sadd.s32 s21, s4  }
0x9e: {  	[timem:s8], [sflag:s22] =	dma.local [hbm:s6], s20  }
0x9f: {  	_ =	swait.ge [sflag:s22], s20  }
0xa0: {  	s5 =	ssub.s32 $0x0, s20;
	[sflag:s22] =	ssyncset.done $0x0  }
0xa1: {  	[sflag:s22] =	ssyncadd.s32 s5;
	_ =	sdelay $0x1  }
0xa2: {  	s23 =	simm.s32 $0x1B8B  }
0xa3: {  	_ =	swait.ge [sflag:s23], $0x1  }
0xa4: {  	[sflag:s23] =	ssyncset.done $0x0  }
0xa5: {  	s25 =	simm.s32 $0x1B8E;
	s24 =	sld [smem:$0x3FFE];
	[sflag:s23] =	ssyncadd.s32 $0xFFFFFFFF  }
0xa6: {  	s26 =	simm.s32 $execute0_lowered;
	[smem:$0x3FD2] =	sst s25  }
0xa7: {  	s6 =	sshll.u32 s26, $0x1;
	_ =	strace $0x80000046;
	[dreg:$0x1] =	wrdreg $0xFFFFFFFF  }
0xa8: {  	s28 =	simm.s32 $_size_execute0_lowered;
	s4 =	sadd.s32 s4, s6;
	[dreg:$0x0] =	wrdreg $0x0  }
0xa9: {  	s6 =	sshll.u32 s28, $0x1;
	[dreg:$0x2] =	wrdreg s4  }
0xaa: {  	[dreg:$0x3] =	wrdreg s6  }
0xab: {  	[dreg:$0x4] =	wrdreg $0xC0  }
0xac: {  	_ =	task [dreg:s8], $0x5FFFF  }
0xad: {  	[dreg:$0x1] =	wrdreg $0xFFFFFFFF  }
0xae: {  	[dreg:$0x0] =	wrdreg $0x60  }
0xaf: {  	[dreg:$0x2] =	wrdreg s24  }
0xb0: {  	[dreg:$0x3] =	wrdreg s2  }
0xb1: {  	[dreg:$0x4] =	wrdreg s18  }
0xb2: {  	[dreg:$0x5] =	wrdreg $0x9  }
0xb3: {  	_ =	task.clear_ibuf [dreg:s8], $0x6FFFF;
	_ =	strace $0x90000046  }
0xb4: {  	s29 =	simm.s32 $0x9;
	_ =	strace $0x80000048  }
0xb5: {  	_ =	swait.ge [sflag:s29], $0x1  }
0xb6: {  	[sflag:s29] =	ssyncadd.s32 $0xFFFFFFFF  }
0xb7: {  	_ =	strace $0x90000048  }
0xb8: {  	_ =	sfence  }
0xb9: {  	s30 =	sld [smem:$0x0];
	_ =	sdelay $0x2  }
0xba: {  	s31 =	sshll.u32 s1, $0xD;
	s1 =	sshrl.u32 s1, $0x2  }
0xbb: {  	s3 =	sand.u32 $0x4000, s31;
	s1 =	sadd.s32 s1, s30  }
0xbc: {  	s0 =	sor.u32 s3, s0;
	s1 =	sshll.u32 s1, $0x11  }
0xbd: {  	s0 =	sor.u32 s1, s0  }
0xbe: {  	s0 =	sadd.s32 $0x8F2B, s0  }
0xbf: {  	[sflag:s0] =	ssyncadd.remote.s32 $0x1  }
0xc0: {  	_ =	sfence.sel $0xFFFF  }
0xc1: {  	[dreg:$0x0] =	wrdreg $0xFFFFFFFF;
	(pc) =	sbr.abs _section_cstart, $3  }
0xc2: {  	[dreg:$0x1] =	wrdreg $0xFFFFFFFF  }
0xc3: {  	_ =	task.clear_ibuf [dreg:s8], $0x2FFFF;
	_ =	strace $0x9FFFFFFF  }
0xc4: {  	(tm) =	ssettm $0x7FFFFFFF  }
0xc5: {  	_ =	shalt  }
tec
execute0_lowered:
.L_overlay_start_1:
0x0: {  	(tag) =	ssettag $0x1  }
0x1: {  	s0 =	rddreg [dreg:$0x0]  }
0x2: {  	s1 =	srdreg.scid;
	s3 =	stileid.u32  }
0x3: {  	s2 =	rddreg [dreg:$0x1];
	s17 =	simm.s32 $0x1;
	s18 =	simm.s32 $0x2400  }
0x4: {  	s19 =	simm.s32 $0x2C00;
	s20 =	simm.s32 $0x3400;
	s21 =	simm.s32 $0x3C00  }
0x5: {  	s22 =	simm.s32 $0x4400;
	s23 =	simm.s32 $0x2;
	s24 =	simm.s32 $0x4  }
0x6: {  	s28 =	simm.s32 $0x5C00;
	s29 =	simm.s32 $0x6400;
	s30 =	simm.s32 $0x6C00  }
0x7: {  	s1 =	sand.u32 $0x1, s1;
	s4 =	sshll.u32 s3, $0x1;
	s3 =	rddreg [dreg:$0x2]  }
0x8: {  	s0 =	sadd.s32 $0x600, s0;
	s5 =	sor.u32 s1, s4;
	s4 =	simm.s32 $0x0  }
0x9: {  	s1 =	ssub.s32 $0x2, s1;
	s5 =	smul.u32 $0x19000, s5;
	[smem:$0x7FF] =	sst s4  }
0xa: {  	s6 =	sshrl.u32 s1, $0x1;
	_ =	strace $0x80000047;
	[dreg:$0x4] =	wrdreg s0  }
0xb: {  	s25 =	ssub.s32 s1, s6;
	s1 =	simm.s32 $0x0;
	s7 =	sshrl.u32 s5, $0x3  }
0xc: {  	s8 =	sadd.s32 $0x320000, s5;
	s9 =	sadd.s32 $0x640000, s5;
	s31 =	sadd.s32 $0x1000, s5  }
0xd: {  	s10 =	sadd.s32 $0x960000, s5;
	s0 =	smax.u32 s25, $0x1;
	[dreg:$0x6] =	wrdreg s31  }
0xe: {  	s11 =	sadd.s32 $0xC80000, s5;
	s26 =	sadd.s32 s2, s7;
	[dreg:$0x7] =	wrdreg s0  }
0xf: {  	s25 =	simm.s32 $0x4C00;
	[dreg:$0x5] =	wrdreg s26;
	s26 =	simm.s32 $0x5400  }
.LBB2_1:
0x10: {  	[dreg:$0x8] =	wrdreg s1  }
0x11: {  	s0 =	rddreg [dreg:$0x4];
	s15 =	simm.s32 $0x5  }
0x12: {  	[tilespmem:s4], [sflag:$0x5] =	stream.linear.gather [hbm4b:s0+s4], $0x1400, $0x38;
	[tilespmem:$0x7400] =	vst v63  }
0x13: {  	_ =	swait.ge [sflag:s15], $0x1400  }
0x14: {  	s31 =	simm.s32 $0x1400;
	[sflag:s15] =	ssyncset.done $0x0  }
0x15: {  	s0 =	simm.s32 $0x0;
	s16 =	rddreg [dreg:$0x5];
	[sflag:s15] =	ssyncadd.s32 $0xFFFFEC00  }
0x16: {  	[tilespmem:s31], [sflag:$0x1] =	stream.linear.gather [hbm4b:s16+s4], $0x800, $0x38;
	[tilespmem:$0x7400] =	vst v63  }
.LBB2_2:
0x17: {  	s13 =	sshll.u32 s0, $0xC  }
0x18: {  	s6 =	sor.u32 $0x800, s13  }
0x19: {  	s1 =	sadd.s32 s5, s6  }
0x1a: {  	s7 =	sshrl.u32 s1, $0x3  }
0x1b: {  	s12 =	simm.s32 $0x1C00;
	s1 =	sadd.s32 s2, s7  }
0x1c: {  	[tilespmem:s12], [sflag:$0x2] =	stream.linear.gather [hbm4b:s1+s4], $0x800, $0x38;
	[tilespmem:$0x7400] =	vst v63  }
0x1d: {  	_ =	swait.ge [sflag:s17], $0x800  }
0x1e: {  	p0 =	seq.s32 s0, $0x0;
	[sflag:s17] =	ssyncset.done $0x0  }
0x1f: {  	s1 =	simm.s32 @!p0 $0x3;
	[sflag:s17] =	ssyncadd.s32 $0xFFFFF800  }
0x20: {  	_ =	swait.ge @!p0 [sflag:s1], $0x800  }
0x21: {  	[sflag:s1] =	ssyncset.done @!p0 $0x0  }
0x22: {  	[sflag:s1] =	ssyncadd.s32 @!p0 $0xFFFFF800  }
0x23: {  	_ =	swait.ge @!p0 [sflag:s1], $0x800  }
0x24: {  	[sflag:s1] =	ssyncset.done @!p0 $0x0  }
0x25: {  	[sflag:s1] =	ssyncadd.s32 @!p0 $0xFFFFF800  }
0x26: {  	_ =	swait.ge @!p0 [sflag:s1], $0x800  }
0x27: {  	[sflag:s1] =	ssyncset.done @!p0 $0x0  }
0x28: {  	[sflag:s1] =	ssyncadd.s32 @!p0 $0xFFFFF800  }
0x29: {  	_ =	swait.ge @!p0 [sflag:s1], $0x800  }
0x2a: {  	[sflag:s1] =	ssyncset.done @!p0 $0x0  }
0x2b: {  	[sflag:s1] =	ssyncadd.s32 @!p0 $0xFFFFF800  }
0x2c: {  	s31 =	simm.s32 $0x3420;
	_ =	swait.ge @!p0 [sflag:s1], $0x800  }
0x2d: {  	s15 =	simm.s32 $0x0;
	s14 =	sadd.s32 s5, s13;
	[sflag:s1] =	ssyncset.done @!p0 $0x0  }
0x2e: {  	s12 =	simm.s32 $0x1420;
	[sflag:s1] =	ssyncadd.s32 @!p0 $0xFFFFF800;
	s1 =	simm.s32 $0xFFFFFFFC  }
.LBB2_3:
0x2f: {  	v0 =	vld [tilespmem:s12+$0xFFFFFFE0];
	_ =	sdelay $0x7  }
0x30: {  	v1 =	vld.idx.msk [tilespmem:v0+s4+$0x0], $0xffff  }
0x31: {  	v2 =	vadd.s32 $0x400, v0;
	_ =	sdelay $0x3  }
0x32: {  	[tilespmem:s31+$0xFFFFEFE0] =	vst v1  }
0x33: {  	v1 =	vld.idx.msk [tilespmem:v2+s4+$0x0], $0xffff  }
0x34: {  	v53 =	vadd.s32 $0x800, v0;
	_ =	sdelay $0x2  }
0x35: {  	s16 =	sand.u32 $0x7C0, s15  }
0x36: {  	[tilespmem:s16+$0x2C00] =	vst v1  }
0x37: {  	v1 =	vld.idx.msk [tilespmem:v53+s4+$0x0], $0xffff  }
0x38: {  	v54 =	vadd.s32 $0xC00, v0;
	_ =	sdelay $0x3  }
0x39: {  	[tilespmem:s16+$0x3400] =	vst v1  }
0x3a: {  	v1 =	vld.idx.msk [tilespmem:v54+s4+$0x0], $0xffff  }
0x3b: {  	v0 =	vadd.s32 $0x1000, v0;
	_ =	sdelay $0x3  }
0x3c: {  	[tilespmem:s16+$0x3C00] =	vst v1  }
0x3d: {  	v0 =	vld.idx.msk [tilespmem:v0+s4+$0x0], $0xffff;
	_ =	sdelay $0x4  }
0x3e: {  	[tilespmem:s16+$0x4400] =	vst v0  }
0x3f: {  	v0 =	vld [tilespmem:s12+$0xFFFFFFF0];
	_ =	sdelay $0x7  }
0x40: {  	v1 =	vld.idx.msk [tilespmem:v0+s4+$0x0], $0xffff  }
0x41: {  	v55 =	vadd.s32 $0x400, v0;
	_ =	sdelay $0x3  }
0x42: {  	[tilespmem:s31+$0xFFFFEFF0] =	vst v1  }
0x43: {  	v1 =	vld.idx.msk [tilespmem:v55+s4+$0x0], $0xffff  }
0x44: {  	v56 =	vadd.s32 $0x800, v0;
	_ =	sdelay $0x3  }
0x45: {  	[tilespmem:s31+$0xFFFFF7F0] =	vst v1  }
0x46: {  	v1 =	vld.idx.msk [tilespmem:v56+s4+$0x0], $0xffff  }
0x47: {  	v57 =	vadd.s32 $0xC00, v0;
	_ =	sdelay $0x3  }
0x48: {  	[tilespmem:s31+$0xFFFFFFF0] =	vst v1  }
0x49: {  	v1 =	vld.idx.msk [tilespmem:v57+s4+$0x0], $0xffff  }
0x4a: {  	v0 =	vadd.s32 $0x1000, v0;
	_ =	sdelay $0x3  }
0x4b: {  	[tilespmem:s31+$0x7F0] =	vst v1  }
0x4c: {  	v0 =	vld.idx.msk [tilespmem:v0+s4+$0x0], $0xffff;
	_ =	sdelay $0x4  }
0x4d: {  	[tilespmem:s31+$0xFF0] =	vst v0  }
0x4e: {  	v0 =	vld [tilespmem:s12+$0x0];
	_ =	sdelay $0x7  }
0x4f: {  	v1 =	vld.idx.msk [tilespmem:v0+s4+$0x0], $0xffff  }
0x50: {  	v58 =	vadd.s32 $0x400, v0;
	_ =	sdelay $0x3  }
0x51: {  	[tilespmem:s31+$0xFFFFF000] =	vst v1  }
0x52: {  	v1 =	vld.idx.msk [tilespmem:v58+s4+$0x0], $0xffff  }
0x53: {  	v59 =	vadd.s32 $0x800, v0;
	_ =	sdelay $0x3  }
0x54: {  	[tilespmem:s31+$0xFFFFF800] =	vst v1  }
0x55: {  	v1 =	vld.idx.msk [tilespmem:v59+s4+$0x0], $0xffff  }
0x56: {  	v60 =	vadd.s32 $0xC00, v0;
	_ =	sdelay $0x3  }
0x57: {  	[tilespmem:s31+$0x0] =	vst v1  }
0x58: {  	v1 =	vld.idx.msk [tilespmem:v60+s4+$0x0], $0xffff  }
0x59: {  	v0 =	vadd.s32 $0x1000, v0;
	_ =	sdelay $0x3  }
0x5a: {  	[tilespmem:s31+$0x800] =	vst v1  }
0x5b: {  	v0 =	vld.idx.msk [tilespmem:v0+s4+$0x0], $0xffff;
	_ =	sdelay $0x4  }
0x5c: {  	[tilespmem:s31+$0x1000] =	vst v0  }
0x5d: {  	v0 =	vld [tilespmem:s12+$0x10];
	_ =	sdelay $0x7  }
0x5e: {  	v1 =	vld.idx.msk [tilespmem:v0+s4+$0x0], $0xffff  }
0x5f: {  	v61 =	vadd.s32 $0x400, v0;
	_ =	sdelay $0x3  }
0x60: {  	[tilespmem:s31+$0xFFFFF010] =	vst v1  }
0x61: {  	v1 =	vld.idx.msk [tilespmem:v61+s4+$0x0], $0xffff  }
0x62: {  	v62 =	vadd.s32 $0x800, v0;
	_ =	sdelay $0x3  }
0x63: {  	[tilespmem:s31+$0xFFFFF810] =	vst v1  }
0x64: {  	v1 =	vld.idx.msk [tilespmem:v62+s4+$0x0], $0xffff  }
0x65: {  	v63 =	vadd.s32 $0xC00, v0;
	_ =	sdelay $0x3  }
0x66: {  	[tilespmem:s31+$0x10] =	vst v1  }
0x67: {  	v1 =	vld.idx.msk [tilespmem:v63+s4+$0x0], $0xffff  }
0x68: {  	v0 =	vadd.s32 $0x1000, v0;
	_ =	sdelay $0x3  }
0x69: {  	s1 =	sadd.s32 $0x4, s1;
	[tilespmem:s31+$0x810] =	vst v1  }
0x6a: {  	p1 =	slt.u32 s1, $0x7C;
	v0 =	vld.idx.msk [tilespmem:v0+s4+$0x0], $0xffff  }
.Ltmp0:
0x6b: {  	_ = 	snop;
	(pc) =	sbr.rel @p1 .LBB2_3-.Ltmp0, $2  }
0x6c: {  	_ =	sdelay $0x2  }
0x6d: {  	s15 =	sadd.s32 $0x40, s15;
	s12 =	sadd.s32 $0x40, s12;
	[tilespmem:s31+$0x1010] =	vst v0;
	s31 =	sadd.s32 $0x40, s31  }
0x6e: {  	s1 =	sshrl.u32 s14, $0x3  }
0x6f: {  	s14 =	sadd.s32 s8, s13;
	s1 =	sadd.s32 s3, s1  }
0x70: {  	[hbm4b:s1+s4] =	stream.linear.scatter [tilespmem:s18], [sflag:$0x3], $0x800, $0x38;
	[tilespmem:$0x7400] =	vst v63  }
0x71: {  	s1 =	sshrl.u32 s14, $0x3  }
0x72: {  	s15 =	sadd.s32 s9, s13;
	s1 =	sadd.s32 s3, s1  }
0x73: {  	[hbm4b:s1+s4] =	stream.linear.scatter [tilespmem:s19], [sflag:$0x3], $0x800, $0x38;
	[tilespmem:$0x7400] =	vst v63  }
0x74: {  	s1 =	sshrl.u32 s15, $0x3  }
0x75: {  	s16 =	sadd.s32 s10, s13;
	s1 =	sadd.s32 s3, s1  }
0x76: {  	[hbm4b:s1+s4] =	stream.linear.scatter [tilespmem:s20], [sflag:$0x3], $0x800, $0x38;
	[tilespmem:$0x7400] =	vst v63  }
0x77: {  	p1 =	sne.s32 s0, $0x18;
	s1 =	sshrl.u32 s16, $0x3  }
.Ltmp1:
0x78: {  	s31 =	sadd.s32 s11, s13;
	s1 =	sadd.s32 s3, s1;
	(pc) =	sbr.rel @p1 .LBB2_6-.Ltmp1, $4  }
0x79: {  	[hbm4b:s1+s4] =	stream.linear.scatter [tilespmem:s21], [sflag:$0x3], $0x800, $0x38;
	[tilespmem:$0x7400] =	vst v63  }
0x7a: {  	s1 =	sshrl.u32 s31, $0x3  }
0x7b: {  	s1 =	sadd.s32 s3, s1  }
0x7c: {  	[hbm4b:s1+s4] =	stream.linear.scatter [tilespmem:s22], [sflag:$0x3], $0x800, $0x38;
	[tilespmem:$0x7400] =	vst v63  }
.Ltmp2:
0x7d: {  	(pc) =	sbr.rel .LBB2_7-.Ltmp2, $4  }
0x7e: {  	_ = 	snop  }
0x7f: {  	_ =	swait.ge [sflag:s23], $0x800  }
0x80: {  	[sflag:s23] =	ssyncset.done $0x0  }
0x81: {  	[sflag:s23] =	ssyncadd.s32 $0xFFFFF800  }
.LBB2_6:
0x82: {  	s1 =	rddreg [dreg:$0x6]  }
0x83: {  	s1 =	sadd.s32 s13, s1  }
0x84: {  	s1 =	sshrl.u32 s1, $0x3  }
.Ltmp3:
0x85: {  	s12 =	simm.s32 $0x1400;
	s1 =	sadd.s32 s2, s1;
	(pc) =	sbr.rel @p0 .LBB2_8-.Ltmp3, $4  }
0x86: {  	[tilespmem:s12], [sflag:$0x1] =	stream.linear.gather [hbm4b:s1+s4], $0x800, $0x38;
	[tilespmem:$0x7400] =	vst v63  }
0x87: {  	_ =	swait.ge [sflag:s23], $0x800  }
0x88: {  	[sflag:s23] =	ssyncset.done $0x0  }
0x89: {  	[sflag:s23] =	ssyncadd.s32 $0xFFFFF800  }
.LBB2_7:
0x8a: {  	_ =	swait.ge [sflag:s24], $0x800  }
0x8b: {  	[sflag:s24] =	ssyncset.done $0x0  }
0x8c: {  	[sflag:s24] =	ssyncadd.s32 $0xFFFFF800  }
0x8d: {  	_ =	swait.ge [sflag:s24], $0x800  }
0x8e: {  	[sflag:s24] =	ssyncset.done $0x0  }
0x8f: {  	[sflag:s24] =	ssyncadd.s32 $0xFFFFF800  }
0x90: {  	_ =	swait.ge [sflag:s24], $0x800  }
0x91: {  	[sflag:s24] =	ssyncset.done $0x0  }
0x92: {  	[sflag:s24] =	ssyncadd.s32 $0xFFFFF800  }
0x93: {  	_ =	swait.ge [sflag:s24], $0x800  }
0x94: {  	[sflag:s24] =	ssyncset.done $0x0  }
0x95: {  	[sflag:s24] =	ssyncadd.s32 $0xFFFFF800  }
0x96: {  	_ =	swait.ge [sflag:s24], $0x800  }
0x97: {  	[sflag:s24] =	ssyncset.done $0x0  }
0x98: {  	[sflag:s24] =	ssyncadd.s32 $0xFFFFF800  }
.LBB2_8:
0x99: {  	s1 =	simm.s32 $0xFFFFFFFC  }
0x9a: {  	s13 =	simm.s32 $0x5C20;
	s14 =	simm.s32 $0x0;
	s12 =	simm.s32 $0x1C20  }
.LBB2_9:
0x9b: {  	v0 =	vld [tilespmem:s12+$0xFFFFFFE0];
	_ =	sdelay $0x7  }
0x9c: {  	v1 =	vld.idx.msk [tilespmem:v0+s4+$0x0], $0xffff  }
0x9d: {  	v2 =	vadd.s32 $0x400, v0;
	_ =	sdelay $0x3  }
0x9e: {  	[tilespmem:s13+$0xFFFFEFE0] =	vst v1  }
0x9f: {  	v1 =	vld.idx.msk [tilespmem:v2+s4+$0x0], $0xffff  }
0xa0: {  	v53 =	vadd.s32 $0x800, v0;
	_ =	sdelay $0x2  }
0xa1: {  	s15 =	sand.u32 $0x7C0, s14  }
0xa2: {  	[tilespmem:s15+$0x5400] =	vst v1  }
0xa3: {  	v1 =	vld.idx.msk [tilespmem:v53+s4+$0x0], $0xffff  }
0xa4: {  	v54 =	vadd.s32 $0xC00, v0;
	_ =	sdelay $0x3  }
0xa5: {  	[tilespmem:s15+$0x5C00] =	vst v1  }
0xa6: {  	v1 =	vld.idx.msk [tilespmem:v54+s4+$0x0], $0xffff  }
0xa7: {  	v0 =	vadd.s32 $0x1000, v0;
	_ =	sdelay $0x3  }
0xa8: {  	[tilespmem:s15+$0x6400] =	vst v1  }
0xa9: {  	v0 =	vld.idx.msk [tilespmem:v0+s4+$0x0], $0xffff;
	_ =	sdelay $0x4  }
0xaa: {  	[tilespmem:s15+$0x6C00] =	vst v0  }
0xab: {  	v0 =	vld [tilespmem:s12+$0xFFFFFFF0];
	_ =	sdelay $0x7  }
0xac: {  	v1 =	vld.idx.msk [tilespmem:v0+s4+$0x0], $0xffff  }
0xad: {  	v55 =	vadd.s32 $0x400, v0;
	_ =	sdelay $0x3  }
0xae: {  	[tilespmem:s13+$0xFFFFEFF0] =	vst v1  }
0xaf: {  	v1 =	vld.idx.msk [tilespmem:v55+s4+$0x0], $0xffff  }
0xb0: {  	v56 =	vadd.s32 $0x800, v0;
	_ =	sdelay $0x3  }
0xb1: {  	[tilespmem:s13+$0xFFFFF7F0] =	vst v1  }
0xb2: {  	v1 =	vld.idx.msk [tilespmem:v56+s4+$0x0], $0xffff  }
0xb3: {  	v57 =	vadd.s32 $0xC00, v0;
	_ =	sdelay $0x3  }
0xb4: {  	[tilespmem:s13+$0xFFFFFFF0] =	vst v1  }
0xb5: {  	v1 =	vld.idx.msk [tilespmem:v57+s4+$0x0], $0xffff  }
0xb6: {  	v0 =	vadd.s32 $0x1000, v0;
	_ =	sdelay $0x3  }
0xb7: {  	[tilespmem:s13+$0x7F0] =	vst v1  }
0xb8: {  	v0 =	vld.idx.msk [tilespmem:v0+s4+$0x0], $0xffff;
	_ =	sdelay $0x4  }
0xb9: {  	[tilespmem:s13+$0xFF0] =	vst v0  }
0xba: {  	v0 =	vld [tilespmem:s12+$0x0];
	_ =	sdelay $0x7  }
0xbb: {  	v1 =	vld.idx.msk [tilespmem:v0+s4+$0x0], $0xffff  }
0xbc: {  	v58 =	vadd.s32 $0x400, v0;
	_ =	sdelay $0x3  }
0xbd: {  	[tilespmem:s13+$0xFFFFF000] =	vst v1  }
0xbe: {  	v1 =	vld.idx.msk [tilespmem:v58+s4+$0x0], $0xffff  }
0xbf: {  	v59 =	vadd.s32 $0x800, v0;
	_ =	sdelay $0x3  }
0xc0: {  	[tilespmem:s13+$0xFFFFF800] =	vst v1  }
0xc1: {  	v1 =	vld.idx.msk [tilespmem:v59+s4+$0x0], $0xffff  }
0xc2: {  	v60 =	vadd.s32 $0xC00, v0;
	_ =	sdelay $0x3  }
0xc3: {  	[tilespmem:s13+$0x0] =	vst v1  }
0xc4: {  	v1 =	vld.idx.msk [tilespmem:v60+s4+$0x0], $0xffff  }
0xc5: {  	v0 =	vadd.s32 $0x1000, v0;
	_ =	sdelay $0x3  }
0xc6: {  	[tilespmem:s13+$0x800] =	vst v1  }
0xc7: {  	v0 =	vld.idx.msk [tilespmem:v0+s4+$0x0], $0xffff;
	_ =	sdelay $0x4  }
0xc8: {  	[tilespmem:s13+$0x1000] =	vst v0  }
0xc9: {  	v0 =	vld [tilespmem:s12+$0x10];
	_ =	sdelay $0x7  }
0xca: {  	v1 =	vld.idx.msk [tilespmem:v0+s4+$0x0], $0xffff  }
0xcb: {  	v61 =	vadd.s32 $0x400, v0;
	_ =	sdelay $0x3  }
0xcc: {  	[tilespmem:s13+$0xFFFFF010] =	vst v1  }
0xcd: {  	v1 =	vld.idx.msk [tilespmem:v61+s4+$0x0], $0xffff  }
0xce: {  	v62 =	vadd.s32 $0x800, v0;
	_ =	sdelay $0x3  }
0xcf: {  	[tilespmem:s13+$0xFFFFF810] =	vst v1  }
0xd0: {  	v1 =	vld.idx.msk [tilespmem:v62+s4+$0x0], $0xffff  }
0xd1: {  	v63 =	vadd.s32 $0xC00, v0;
	_ =	sdelay $0x3  }
0xd2: {  	[tilespmem:s13+$0x10] =	vst v1  }
0xd3: {  	v1 =	vld.idx.msk [tilespmem:v63+s4+$0x0], $0xffff  }
0xd4: {  	v0 =	vadd.s32 $0x1000, v0;
	_ =	sdelay $0x3  }
0xd5: {  	s1 =	sadd.s32 $0x4, s1;
	[tilespmem:s13+$0x810] =	vst v1  }
0xd6: {  	p0 =	slt.u32 s1, $0x7C;
	v0 =	vld.idx.msk [tilespmem:v0+s4+$0x0], $0xffff  }
.Ltmp4:
0xd7: {  	_ = 	snop;
	(pc) =	sbr.rel @p0 .LBB2_9-.Ltmp4, $2  }
0xd8: {  	_ =	sdelay $0x2  }
0xd9: {  	s14 =	sadd.s32 $0x40, s14;
	s12 =	sadd.s32 $0x40, s12;
	[tilespmem:s13+$0x1010] =	vst v0;
	s13 =	sadd.s32 $0x40, s13  }
0xda: {  	s1 =	sadd.s32 s3, s7;
	s14 =	sadd.s32 s8, s6  }
0xdb: {  	[hbm4b:s1+s4] =	stream.linear.scatter [tilespmem:s25], [sflag:$0x4], $0x800, $0x38;
	[tilespmem:$0x7400] =	vst v63  }
0xdc: {  	s1 =	sshrl.u32 s14, $0x3  }
0xdd: {  	s15 =	sadd.s32 s9, s6;
	s1 =	sadd.s32 s3, s1  }
0xde: {  	[hbm4b:s1+s4] =	stream.linear.scatter [tilespmem:s26], [sflag:$0x4], $0x800, $0x38;
	[tilespmem:$0x7400] =	vst v63  }
0xdf: {  	s1 =	sshrl.u32 s15, $0x3  }
0xe0: {  	s16 =	sadd.s32 s10, s6;
	s0 =	sadd.s32 $0x1, s0;
	s1 =	sadd.s32 s3, s1  }
0xe1: {  	[hbm4b:s1+s4] =	stream.linear.scatter [tilespmem:s28], [sflag:$0x4], $0x800, $0x38;
	[tilespmem:$0x7400] =	vst v63  }
0xe2: {  	p0 =	sne.s32 s0, $0x19;
	s1 =	sshrl.u32 s16, $0x3  }
.Ltmp5:
0xe3: {  	s31 =	sadd.s32 s11, s6;
	s1 =	sadd.s32 s3, s1;
	(pc) =	sbr.rel @p0 .LBB2_2-.Ltmp5, $4  }
0xe4: {  	[hbm4b:s1+s4] =	stream.linear.scatter [tilespmem:s29], [sflag:$0x4], $0x800, $0x38;
	[tilespmem:$0x7400] =	vst v63  }
0xe5: {  	s1 =	sshrl.u32 s31, $0x3  }
0xe6: {  	s1 =	sadd.s32 s3, s1  }
0xe7: {  	[hbm4b:s1+s4] =	stream.linear.scatter [tilespmem:s30], [sflag:$0x4], $0x800, $0x38;
	[tilespmem:$0x7400] =	vst v63  }
0xe8: {  	s0 =	simm.s32 $0x3  }
0xe9: {  	_ =	swait.ge [sflag:s0], $0x800  }
0xea: {  	[sflag:s0] =	ssyncset.done $0x0  }
0xeb: {  	[sflag:s0] =	ssyncadd.s32 $0xFFFFF800  }
0xec: {  	_ =	swait.ge [sflag:s0], $0x800  }
0xed: {  	[sflag:s0] =	ssyncset.done $0x0  }
0xee: {  	[sflag:s0] =	ssyncadd.s32 $0xFFFFF800  }
0xef: {  	_ =	swait.ge [sflag:s0], $0x800  }
0xf0: {  	[sflag:s0] =	ssyncset.done $0x0  }
0xf1: {  	[sflag:s0] =	ssyncadd.s32 $0xFFFFF800  }
0xf2: {  	_ =	swait.ge [sflag:s0], $0x800  }
0xf3: {  	[sflag:s0] =	ssyncset.done $0x0  }
0xf4: {  	[sflag:s0] =	ssyncadd.s32 $0xFFFFF800  }
0xf5: {  	_ =	swait.ge [sflag:s0], $0x800  }
0xf6: {  	[sflag:s0] =	ssyncset.done $0x0  }
0xf7: {  	[sflag:s0] =	ssyncadd.s32 $0xFFFFF800  }
0xf8: {  	_ =	swait.ge [sflag:s24], $0x800  }
0xf9: {  	[sflag:s24] =	ssyncset.done $0x0  }
0xfa: {  	[sflag:s24] =	ssyncadd.s32 $0xFFFFF800  }
0xfb: {  	_ =	swait.ge [sflag:s24], $0x800  }
0xfc: {  	[sflag:s24] =	ssyncset.done $0x0  }
0xfd: {  	[sflag:s24] =	ssyncadd.s32 $0xFFFFF800  }
0xfe: {  	_ =	swait.ge [sflag:s24], $0x800  }
0xff: {  	[sflag:s24] =	ssyncset.done $0x0  }
0x100: {  	[sflag:s24] =	ssyncadd.s32 $0xFFFFF800  }
0x101: {  	_ =	swait.ge [sflag:s24], $0x800  }
0x102: {  	[sflag:s24] =	ssyncset.done $0x0  }
0x103: {  	[sflag:s24] =	ssyncadd.s32 $0xFFFFF800  }
0x104: {  	_ =	swait.ge [sflag:s24], $0x800  }
0x105: {  	s1 =	rddreg [dreg:$0x8]  }
0x106: {  	s31 =	rddreg [dreg:$0x7];
	s1 =	sadd.s32 $0x1, s1  }
0x107: {  	p0 =	sne.s32 s1, s31  }
.Ltmp6:
0x108: {  	_ = 	snop;
	(pc) =	sbr.rel @p0 .LBB2_1-.Ltmp6, $3  }
0x109: {  	_ =	sdelay $0x1  }
0x10a: {  	[sflag:s24] =	ssyncset.done $0x0  }
0x10b: {  	[sflag:s24] =	ssyncadd.s32 $0xFFFFF800  }
0x10c: {  	_ =	sfence.sel $0x180000  }
0x10d: {  	[bflag:$0x0] =	sbarrier.arrive $0xFFFF  }
0x10e: {  	_ =	strace $0x90000047  }
0x10f: {  	s0 =	stileid.u32;
	[bflag:$0x2] =	sbarrier.arrive $0xFFFF  }
0x110: {  	p0 =	sne.s32 s0, $0x0;
	s0 =	rddreg [dreg:$0x3]  }
0x111: {  	s0 =	sadd.s32 @!p0 $0x100000, s0  }
0x112: {  	[sflag:s0] =	ssyncadd.tile.s32 @!p0 $0x1;
	_ =	shalt  }
.Lfunc_end2:
_tile_overlayer_lowered:
.L_overlay_start_2:
0x113: {  	(tag) =	ssettag $0x2  }
0x114: {  	s0 =	rddreg [dreg:$0x0];
	s2 =	stileid.u32  }
0x115: {  	s1 =	rddreg [dreg:$0x1];
	p0 =	sne.s32 s2, $0x0  }
0x116: {  	s3 =	rddreg [dreg:$0x2];
	[bflag:$0x3] =	sbarrier.arrive $0xFFFF;
	s2 =	simm.s32 @!p0 $0x1C05  }
0x117: {  	[timem:s3], [sflag:s2] =	dma.local @!p0 [hbm:s0], s1  }
0x118: {  	s0 =	simm.s32 @!p0 $0x5  }
0x119: {  	_ =	swait.ge @!p0 [sflag:s0], s1  }
0x11a: {  	s1 =	ssub.s32 @!p0 $0x0, s1;
	[sflag:s0] =	ssyncset.done @!p0 $0x0  }
0x11b: {  	[sflag:s0] =	ssyncadd.s32 @!p0 s1  }
0x11c: {  	[bflag:$0x3] =	sbarrier.arrive $0xFFFF  }
0x11d: {  	_ =	shalt  }

</sc_bundles>
